<compile_context>
chip_gen: v7x
topology: tpu7x:2x2x1
jax: 0.10.2.dev20260603
libtpu: 0.0.44.dev20260713+nightly
codegen_flags: <defaults>
</compile_context>

<pallas_src>
import functools
import jax
import jax.numpy as jnp
from jax import lax
from jax.experimental import pallas as pl
from jax.experimental.pallas import tpu as pltpu
from jax.experimental.pallas import tpu_sc as plsc

B = 4096
L = 200
E = 64
LP1 = L + 1

NC = 2
NS = 16
NW = NC * NS
BPW = B // NW
G = 2
R = BPW // G
S1 = 104
S2 = L - S1


def _body(x_hbm, subject_hbm, table_hbm, subject_table_hbm, out_hbm,
          idx_v, gbuf, sidx_v, srow_v, ssem, gsem0, gsem1, wsem0, wsem1):
    wid = lax.axis_index("s") * NC + lax.axis_index("c")
    base = wid * BPW

    pltpu.sync_copy(subject_hbm.at[pl.ds(base, BPW)], sidx_v)
    pltpu.async_copy(subject_table_hbm.at[sidx_v], srow_v, ssem).wait()

    gsems = (gsem0, gsem1)
    wsems = (wsem0, wsem1)

    def start_round(r, q):
        pltpu.sync_copy(x_hbm.at[pl.ds(base + r * G, G)], idx_v.at[q])
        for g in range(G):
            for off, n in ((0, S1), (S1, S2)):
                pltpu.async_copy(
                    table_hbm.at[idx_v.at[q, g, pl.ds(off, n)]],
                    gbuf.at[q, g, pl.ds(1 + off, n)],
                    gsems[q])

    def wait_gathers(q):
        for g in range(G):
            for off, n in ((0, S1), (S1, S2)):
                pltpu.make_async_copy(
                    table_hbm.at[idx_v.at[q, g, pl.ds(off, n)]],
                    gbuf.at[q, g, pl.ds(1 + off, n)],
                    gsems[q]).wait()

    def start_writes(r, q):
        for g in range(G):
            for k in range(E // 16):
                gbuf[q, g, 0, pl.ds(k * 16, 16)] = (
                    srow_v[r * G + g, pl.ds(k * 16, 16)])
            pltpu.async_copy(gbuf.at[q, g], out_hbm.at[base + r * G + g],
                             wsems[q])

    def wait_writes(q):
        for g in range(G):
            pltpu.make_async_copy(gbuf.at[q, g], out_hbm.at[0],
                                  wsems[q]).wait()

    start_round(0, 0)

    @pl.loop(0, R, step=2)
    def _rounds(r):
        for q in (0, 1):
            rr = r + q
            nxt = 1 - q

            @pl.when(rr + 1 < R)
            def _():
                @pl.when(rr >= 1)
                def _():
                    wait_writes(nxt)
                start_round(rr + 1, nxt)

            wait_gathers(q)
            start_writes(rr, q)

    wait_writes(0)
    wait_writes(1)


@jax.jit
def _run(x, subject, table, subject_table):
    kern = functools.partial(
        pl.kernel,
        out_type=jax.ShapeDtypeStruct((B, LP1, E), jnp.float32),
        mesh=plsc.VectorSubcoreMesh(
            core_axis_name="c", subcore_axis_name="s",
            num_cores=NC, num_subcores=NS),
        scratch_types=[
            pltpu.VMEM((2, G, L), jnp.int32),
            pltpu.VMEM((2, G, LP1, E), jnp.float32),
            pltpu.VMEM((BPW,), jnp.int32),
            pltpu.VMEM((BPW, E), jnp.float32),
            pltpu.SemaphoreType.DMA,
            pltpu.SemaphoreType.DMA,
            pltpu.SemaphoreType.DMA,
            pltpu.SemaphoreType.DMA,
            pltpu.SemaphoreType.DMA,
        ],
        compiler_params=pltpu.CompilerParams(use_tc_tiling_on_sc=False),
    )(_body)
    return kern(x, subject, table, subject_table)


def kernel(x, subject, table, subject_table):
    return _run(x, subject, table, subject_table)

# --- scband reference (transcript-rebuilt; emitter-appended) ---
"""Pipeline reference for scband-embedding-with-subject-730144440989 (READ-ONLY COPY).

The authoritative reference and input builder live on the scoring server;
editing this copy changes nothing except your own understanding.
"""

import jax, jax.numpy as jnp
import numpy as np

VOCAB = 1000000
EMBED = 64
N_SUBJECTS = 256
B = 4096
L = 200

def setup_inputs(seed: int = 0) -> dict:
    key = jax.random.key(seed)
    k1, k2, k3, k4 = jax.random.split(key, 4)
    x = jax.random.randint(k1, (B, L), 0, VOCAB, dtype=jnp.int64 if jax.config.jax_enable_x64 else jnp.int32).astype(jnp.int32)
    subject = jax.random.randint(k2, (B,), 0, N_SUBJECTS, dtype=jnp.int32)
    table = jax.random.normal(k3, (VOCAB, EMBED), dtype=jnp.float32) * 0.02
    subject_table = jax.random.normal(k4, (N_SUBJECTS, EMBED), dtype=jnp.float32) * 0.02
    return {"x": x, "subject": subject, "table": table, "subject_table": subject_table}

def reference(x, subject, table, subject_table):
    # embedder lookup: [B, L] -> [B, L, E]
    emb = jnp.take(table, x, axis=0)
    # subject lookup: [B] -> [B, E]
    subject_token = jnp.take(subject_table, subject, axis=0)
    # rearrange 'b e -> b 1 e'
    subject_token = subject_token[:, None, :]
    # concat along sequence dim (dim=-2)
    out = jnp.concatenate([subject_token, emb], axis=-2)
    return out

if False:  # reference __main__ guard neutralized (emitter)
    inp = setup_inputs()
    out = reference(**inp)
    print(out.shape)

if __name__ == "__main__":
    import jax
    _d = setup_inputs()
    print(jax.jit(kernel)(*tuple(_d.values())))

</pallas_src>

<mosaic_0001>
#map = affine_map<(d0, d1) -> (0, 0)>
#map1 = affine_map<(d0, d1) -> (0)>
#map2 = affine_map<(d0, d1) -> (0, 0, 0)>
module attributes {stable_mosaic.version = 14 : i64} {
  func.func @_body(%arg0: i32, %arg1: i32, %arg2: memref<4096x200xi32, #tpu.memory_space<hbm>>, %arg3: memref<4096xi32, #tpu.memory_space<hbm>>, %arg4: memref<1000000x64xf32, #tpu.memory_space<hbm>>, %arg5: memref<256x64xf32, #tpu.memory_space<hbm>>, %arg6: memref<4096x201x64xf32, #tpu.memory_space<hbm>>, %arg7: memref<2x2x200xi32, #tpu.memory_space<vmem>>, %arg8: memref<2x2x201x64xf32, #tpu.memory_space<vmem>>, %arg9: memref<128xi32, #tpu.memory_space<vmem>>, %arg10: memref<128x64xf32, #tpu.memory_space<vmem>>, %arg11: memref<!tpu.dma_semaphore, #tpu.memory_space<semaphore_mem>>, %arg12: memref<!tpu.dma_semaphore, #tpu.memory_space<semaphore_mem>>, %arg13: memref<!tpu.dma_semaphore, #tpu.memory_space<semaphore_mem>>, %arg14: memref<!tpu.dma_semaphore, #tpu.memory_space<semaphore_mem>>, %arg15: memref<!tpu.dma_semaphore, #tpu.memory_space<semaphore_mem>>) attributes {dimension_semantics = [#tpu.dimension_semantics<core_parallel>, #tpu.dimension_semantics<subcore_parallel>], iteration_bounds = array<i64: 2, 16>, scalar_prefetch = 0 : i64, scratch_operands = 9 : i64, tpu.core_type = #tpu.core_type<sc_vector_subcore>, window_params = [{transform_indices = #map}, {transform_indices = #map1}, {transform_indices = #map}, {transform_indices = #map}, {transform_indices = #map2}]} {
    %mul3A = arith.constant 2 : i32
    %mul3A_0 = arith.muli %arg1, %mul3A : i32
    %add3A = arith.addi %mul3A_0, %arg0 : i32
    %mul3A_1 = arith.constant 128 : i32
    %mul3A_2 = arith.muli %add3A, %mul3A_1 : i32
    "tpu.region"() ({
      %run_scoped3A_145 = tpu.sem_alloc : memref<!tpu.dma_semaphore, #tpu.memory_space<semaphore_mem>>
      %dma_start3A_146 = tpu.memref_slice %arg3[%mul3A_2] : memref<4096xi32, #tpu.memory_space<hbm>> -> memref<128xi32, #tpu.memory_space<hbm>>
      %dma_start3A_147 = tpu.memref_slice %arg3[%mul3A_2] : memref<4096xi32, #tpu.memory_space<hbm>> -> memref<128xi32, #tpu.memory_space<hbm>>
      tpu.enqueue_dma source(%dma_start3A_147 : memref<128xi32, #tpu.memory_space<hbm>>) target(%arg9 : memref<128xi32, #tpu.memory_space<vmem>>) target_semaphore(%run_scoped3A_145 : memref<!tpu.dma_semaphore, #tpu.memory_space<semaphore_mem>>)
      %dma_wait3A_148 = tpu.memref_slice %arg3[%mul3A_2] : memref<4096xi32, #tpu.memory_space<hbm>> -> memref<128xi32, #tpu.memory_space<hbm>>
      %dma_wait3A_149 = tpu.memref_slice %arg3[%mul3A_2] : memref<4096xi32, #tpu.memory_space<hbm>> -> memref<128xi32, #tpu.memory_space<hbm>>
      tpu.wait_dma2 semaphore(%run_scoped3A_145 : memref<!tpu.dma_semaphore, #tpu.memory_space<semaphore_mem>>) src(%dma_wait3A_149 : memref<128xi32, #tpu.memory_space<hbm>>) dst(%arg9 : memref<128xi32, #tpu.memory_space<vmem>>)
      tpu.yield
    }) : () -> ()
    %dma_start3A = arith.constant 0 : i32
    %dma_start3A_3 = arith.constant 0 : i32
    %dma_start3A_4 = tpu.memref_slice %arg5[%dma_start3A, %dma_start3A_3] : memref<256x64xf32, #tpu.memory_space<hbm>> -> memref<256x64xf32, #tpu.memory_space<hbm>>
    tpu.enqueue_indirect_dma source(%dma_start3A_4 : memref<256x64xf32, #tpu.memory_space<hbm>>) target(%arg10 : memref<128x64xf32, #tpu.memory_space<vmem>>) offsets(%arg9 : memref<128xi32, #tpu.memory_space<vmem>>) semaphore(%arg11 : memref<!tpu.dma_semaphore, #tpu.memory_space<semaphore_mem>>)
    %dma_wait3A = arith.constant 0 : i32
    %dma_wait3A_5 = arith.constant 0 : i32
    %dma_wait3A_6 = tpu.memref_slice %arg5[%dma_wait3A, %dma_wait3A_5] : memref<256x64xf32, #tpu.memory_space<hbm>> -> memref<256x64xf32, #tpu.memory_space<hbm>>
    tpu.wait_indirect_dma semaphore(%arg11 : memref<!tpu.dma_semaphore, #tpu.memory_space<semaphore_mem>>) src(%dma_wait3A_6 : memref<256x64xf32, #tpu.memory_space<hbm>>) dst(%arg10 : memref<128x64xf32, #tpu.memory_space<vmem>>)
    %add3A_7 = arith.constant 0 : i32
    %add3A_8 = arith.addi %mul3A_2, %add3A_7 : i32
    %run_scoped3A = arith.constant 0 : i32
    "tpu.region"() ({
      %run_scoped3A_145 = tpu.sem_alloc : memref<!tpu.dma_semaphore, #tpu.memory_space<semaphore_mem>>
      %dma_start3A_146 = arith.constant 0 : i32
      %dma_start3A_147 = arith.constant 0 : i32
      %dma_start3A_148 = tpu.memref_slice %arg7[%run_scoped3A, %dma_start3A_146, %dma_start3A_147] : memref<2x2x200xi32, #tpu.memory_space<vmem>> -> memref<1x2x200xi32, #tpu.memory_space<vmem>>
      %dma_start3A_149 = tpu.memref_squeeze %dma_start3A_148 : memref<1x2x200xi32, #tpu.memory_space<vmem>> -> memref<2x200xi32, #tpu.memory_space<vmem>>
      %dma_start3A_150 = arith.constant 0 : i32
      %dma_start3A_151 = tpu.memref_slice %arg2[%add3A_8, %dma_start3A_150] : memref<4096x200xi32, #tpu.memory_space<hbm>> -> memref<2x200xi32, #tpu.memory_space<hbm>>
      %dma_start3A_152 = arith.constant 0 : i32
      %dma_start3A_153 = arith.constant 0 : i32
      %dma_start3A_154 = tpu.memref_slice %arg7[%run_scoped3A, %dma_start3A_152, %dma_start3A_153] : memref<2x2x200xi32, #tpu.memory_space<vmem>> -> memref<1x2x200xi32, #tpu.memory_space<vmem>>
      %dma_start3A_155 = tpu.memref_squeeze %dma_start3A_154 : memref<1x2x200xi32, #tpu.memory_space<vmem>> -> memref<2x200xi32, #tpu.memory_space<vmem>>
      %dma_start3A_156 = arith.constant 0 : i32
      %dma_start3A_157 = tpu.memref_slice %arg2[%add3A_8, %dma_start3A_156] : memref<4096x200xi32, #tpu.memory_space<hbm>> -> memref<2x200xi32, #tpu.memory_space<hbm>>
      tpu.enqueue_dma source(%dma_start3A_157 : memref<2x200xi32, #tpu.memory_space<hbm>>) target(%dma_start3A_155 : memref<2x200xi32, #tpu.memory_space<vmem>>) target_semaphore(%run_scoped3A_145 : memref<!tpu.dma_semaphore, #tpu.memory_space<semaphore_mem>>)
      %dma_wait3A_158 = arith.constant 0 : i32
      %dma_wait3A_159 = arith.constant 0 : i32
      %dma_wait3A_160 = tpu.memref_slice %arg7[%run_scoped3A, %dma_wait3A_158, %dma_wait3A_159] : memref<2x2x200xi32, #tpu.memory_space<vmem>> -> memref<1x2x200xi32, #tpu.memory_space<vmem>>
      %dma_wait3A_161 = tpu.memref_squeeze %dma_wait3A_160 : memref<1x2x200xi32, #tpu.memory_space<vmem>> -> memref<2x200xi32, #tpu.memory_space<vmem>>
      %dma_wait3A_162 = arith.constant 0 : i32
      %dma_wait3A_163 = tpu.memref_slice %arg2[%add3A_8, %dma_wait3A_162] : memref<4096x200xi32, #tpu.memory_space<hbm>> -> memref<2x200xi32, #tpu.memory_space<hbm>>
      %dma_wait3A_164 = arith.constant 0 : i32
      %dma_wait3A_165 = arith.constant 0 : i32
      %dma_wait3A_166 = tpu.memref_slice %arg7[%run_scoped3A, %dma_wait3A_164, %dma_wait3A_165] : memref<2x2x200xi32, #tpu.memory_space<vmem>> -> memref<1x2x200xi32, #tpu.memory_space<vmem>>
      %dma_wait3A_167 = tpu.memref_squeeze %dma_wait3A_166 : memref<1x2x200xi32, #tpu.memory_space<vmem>> -> memref<2x200xi32, #tpu.memory_space<vmem>>
      %dma_wait3A_168 = arith.constant 0 : i32
      %dma_wait3A_169 = tpu.memref_slice %arg2[%add3A_8, %dma_wait3A_168] : memref<4096x200xi32, #tpu.memory_space<hbm>> -> memref<2x200xi32, #tpu.memory_space<hbm>>
      tpu.wait_dma2 semaphore(%run_scoped3A_145 : memref<!tpu.dma_semaphore, #tpu.memory_space<semaphore_mem>>) src(%dma_wait3A_169 : memref<2x200xi32, #tpu.memory_space<hbm>>) dst(%dma_wait3A_167 : memref<2x200xi32, #tpu.memory_space<vmem>>)
      tpu.yield
    }) : () -> ()
    %dma_start3A_9 = arith.constant 0 : i32
    %dma_start3A_10 = arith.constant 0 : i32
    %dma_start3A_11 = arith.constant 0 : i32
    %dma_start3A_12 = arith.constant 0 : i32
    %dma_start3A_13 = arith.constant 1 : i32
    %dma_start3A_14 = arith.constant 0 : i32
    %dma_start3A_15 = tpu.memref_slice %arg8[%dma_start3A_11, %dma_start3A_12, %dma_start3A_13, %dma_start3A_14] : memref<2x2x201x64xf32, #tpu.memory_space<vmem>> -> memref<1x1x104x64xf32, #tpu.memory_space<vmem>>
    %dma_start3A_16 = tpu.memref_squeeze %dma_start3A_15 : memref<1x1x104x64xf32, #tpu.memory_space<vmem>> -> memref<104x64xf32, #tpu.memory_space<vmem>>
    %dma_start3A_17 = arith.constant 0 : i32
    %dma_start3A_18 = tpu.memref_slice %arg7[%dma_start3A_9, %dma_start3A_10, %dma_start3A_17] : memref<2x2x200xi32, #tpu.memory_space<vmem>> -> memref<1x1x104xi32, #tpu.memory_space<vmem>>
    %dma_start3A_19 = tpu.memref_squeeze %dma_start3A_18 : memref<1x1x104xi32, #tpu.memory_space<vmem>> -> memref<104xi32, #tpu.memory_space<vmem>>
    %dma_start3A_20 = arith.constant 0 : i32
    %dma_start3A_21 = arith.constant 0 : i32
    %dma_start3A_22 = tpu.memref_slice %arg4[%dma_start3A_20, %dma_start3A_21] : memref<1000000x64xf32, #tpu.memory_space<hbm>> -> memref<1000000x64xf32, #tpu.memory_space<hbm>>
    tpu.enqueue_indirect_dma source(%dma_start3A_22 : memref<1000000x64xf32, #tpu.memory_space<hbm>>) target(%dma_start3A_16 : memref<104x64xf32, #tpu.memory_space<vmem>>) offsets(%dma_start3A_19 : memref<104xi32, #tpu.memory_space<vmem>>) semaphore(%arg12 : memref<!tpu.dma_semaphore, #tpu.memory_space<semaphore_mem>>)
    %dma_start3A_23 = arith.constant 0 : i32
    %dma_start3A_24 = arith.constant 0 : i32
    %dma_start3A_25 = arith.constant 0 : i32
    %dma_start3A_26 = arith.constant 0 : i32
    %dma_start3A_27 = arith.constant 105 : i32
    %dma_start3A_28 = arith.constant 0 : i32
    %dma_start3A_29 = tpu.memref_slice %arg8[%dma_start3A_25, %dma_start3A_26, %dma_start3A_27, %dma_start3A_28] : memref<2x2x201x64xf32, #tpu.memory_space<vmem>> -> memref<1x1x96x64xf32, #tpu.memory_space<vmem>>
    %dma_start3A_30 = tpu.memref_squeeze %dma_start3A_29 : memref<1x1x96x64xf32, #tpu.memory_space<vmem>> -> memref<96x64xf32, #tpu.memory_space<vmem>>
    %dma_start3A_31 = arith.constant 104 : i32
    %dma_start3A_32 = tpu.memref_slice %arg7[%dma_start3A_23, %dma_start3A_24, %dma_start3A_31] : memref<2x2x200xi32, #tpu.memory_space<vmem>> -> memref<1x1x96xi32, #tpu.memory_space<vmem>>
    %dma_start3A_33 = tpu.memref_squeeze %dma_start3A_32 : memref<1x1x96xi32, #tpu.memory_space<vmem>> -> memref<96xi32, #tpu.memory_space<vmem>>
    %dma_start3A_34 = arith.constant 0 : i32
    %dma_start3A_35 = arith.constant 0 : i32
    %dma_start3A_36 = tpu.memref_slice %arg4[%dma_start3A_34, %dma_start3A_35] : memref<1000000x64xf32, #tpu.memory_space<hbm>> -> memref<1000000x64xf32, #tpu.memory_space<hbm>>
    tpu.enqueue_indirect_dma source(%dma_start3A_36 : memref<1000000x64xf32, #tpu.memory_space<hbm>>) target(%dma_start3A_30 : memref<96x64xf32, #tpu.memory_space<vmem>>) offsets(%dma_start3A_33 : memref<96xi32, #tpu.memory_space<vmem>>) semaphore(%arg12 : memref<!tpu.dma_semaphore, #tpu.memory_space<semaphore_mem>>)
    %dma_start3A_37 = arith.constant 0 : i32
    %dma_start3A_38 = arith.constant 1 : i32
    %dma_start3A_39 = arith.constant 0 : i32
    %dma_start3A_40 = arith.constant 1 : i32
    %dma_start3A_41 = arith.constant 1 : i32
    %dma_start3A_42 = arith.constant 0 : i32
    %dma_start3A_43 = tpu.memref_slice %arg8[%dma_start3A_39, %dma_start3A_40, %dma_start3A_41, %dma_start3A_42] : memref<2x2x201x64xf32, #tpu.memory_space<vmem>> -> memref<1x1x104x64xf32, #tpu.memory_space<vmem>>
    %dma_start3A_44 = tpu.memref_squeeze %dma_start3A_43 : memref<1x1x104x64xf32, #tpu.memory_space<vmem>> -> memref<104x64xf32, #tpu.memory_space<vmem>>
    %dma_start3A_45 = arith.constant 0 : i32
    %dma_start3A_46 = tpu.memref_slice %arg7[%dma_start3A_37, %dma_start3A_38, %dma_start3A_45] : memref<2x2x200xi32, #tpu.memory_space<vmem>> -> memref<1x1x104xi32, #tpu.memory_space<vmem>>
    %dma_start3A_47 = tpu.memref_squeeze %dma_start3A_46 : memref<1x1x104xi32, #tpu.memory_space<vmem>> -> memref<104xi32, #tpu.memory_space<vmem>>
    %dma_start3A_48 = arith.constant 0 : i32
    %dma_start3A_49 = arith.constant 0 : i32
    %dma_start3A_50 = tpu.memref_slice %arg4[%dma_start3A_48, %dma_start3A_49] : memref<1000000x64xf32, #tpu.memory_space<hbm>> -> memref<1000000x64xf32, #tpu.memory_space<hbm>>
    tpu.enqueue_indirect_dma source(%dma_start3A_50 : memref<1000000x64xf32, #tpu.memory_space<hbm>>) target(%dma_start3A_44 : memref<104x64xf32, #tpu.memory_space<vmem>>) offsets(%dma_start3A_47 : memref<104xi32, #tpu.memory_space<vmem>>) semaphore(%arg12 : memref<!tpu.dma_semaphore, #tpu.memory_space<semaphore_mem>>)
    %dma_start3A_51 = arith.constant 0 : i32
    %dma_start3A_52 = arith.constant 1 : i32
    %dma_start3A_53 = arith.constant 0 : i32
    %dma_start3A_54 = arith.constant 1 : i32
    %dma_start3A_55 = arith.constant 105 : i32
    %dma_start3A_56 = arith.constant 0 : i32
    %dma_start3A_57 = tpu.memref_slice %arg8[%dma_start3A_53, %dma_start3A_54, %dma_start3A_55, %dma_start3A_56] : memref<2x2x201x64xf32, #tpu.memory_space<vmem>> -> memref<1x1x96x64xf32, #tpu.memory_space<vmem>>
    %dma_start3A_58 = tpu.memref_squeeze %dma_start3A_57 : memref<1x1x96x64xf32, #tpu.memory_space<vmem>> -> memref<96x64xf32, #tpu.memory_space<vmem>>
    %dma_start3A_59 = arith.constant 104 : i32
    %dma_start3A_60 = tpu.memref_slice %arg7[%dma_start3A_51, %dma_start3A_52, %dma_start3A_59] : memref<2x2x200xi32, #tpu.memory_space<vmem>> -> memref<1x1x96xi32, #tpu.memory_space<vmem>>
    %dma_start3A_61 = tpu.memref_squeeze %dma_start3A_60 : memref<1x1x96xi32, #tpu.memory_space<vmem>> -> memref<96xi32, #tpu.memory_space<vmem>>
    %dma_start3A_62 = arith.constant 0 : i32
    %dma_start3A_63 = arith.constant 0 : i32
    %dma_start3A_64 = tpu.memref_slice %arg4[%dma_start3A_62, %dma_start3A_63] : memref<1000000x64xf32, #tpu.memory_space<hbm>> -> memref<1000000x64xf32, #tpu.memory_space<hbm>>
    tpu.enqueue_indirect_dma source(%dma_start3A_64 : memref<1000000x64xf32, #tpu.memory_space<hbm>>) target(%dma_start3A_58 : memref<96x64xf32, #tpu.memory_space<vmem>>) offsets(%dma_start3A_61 : memref<96xi32, #tpu.memory_space<vmem>>) semaphore(%arg12 : memref<!tpu.dma_semaphore, #tpu.memory_space<semaphore_mem>>)
    %scan3A = arith.constant 0 : i32
    %scan3A_65 = arith.constant 32 : i32
    %scan3A_66 = arith.addi %scan3A, %scan3A_65 : i32
    %scan3A_67 = arith.constant 1 : i32
    scf.for %scan3A_145 = %scan3A to %scan3A_66 step %scan3A_67  : i32 {
      %mul3A_146 = arith.constant 2 : i32
      %mul3A_147 = arith.muli %scan3A_145, %mul3A_146 : i32
      %add3A_148 = arith.constant 0 : i32
      %add3A_149 = arith.addi %add3A_148, %mul3A_147 : i32
      %add3A_150 = arith.constant 0 : i32
      %add3A_151 = arith.addi %add3A_149, %add3A_150 : i32
      %add3A_152 = arith.constant 1 : i32
      %add3A_153 = arith.addi %add3A_151, %add3A_152 : i32
      %lt3A = arith.constant 64 : i32
      %lt3A_154 = arith.cmpi slt, %add3A_153, %lt3A : i32
      %convert_element_type3A = arith.extui %lt3A_154 : i1 to i32
      %cond3A = arith.constant 0 : i32
      %cond3A_155 = arith.cmpi ne, %convert_element_type3A, %cond3A : i32
      scf.if %cond3A_155 {
        %ge3A = arith.constant 1 : i32
        %ge3A_655 = arith.cmpi sge, %add3A_151, %ge3A : i32
        %convert_element_type3A_656 = arith.extui %ge3A_655 : i1 to i32
        %cond3A_657 = arith.constant 0 : i32
        %cond3A_658 = arith.cmpi ne, %convert_element_type3A_656, %cond3A_657 : i32
        scf.if %cond3A_658 {
          %dma_wait3A_721 = arith.constant 1 : i32
          %dma_wait3A_722 = arith.constant 0 : i32
          %dma_wait3A_723 = arith.constant 0 : i32
          %dma_wait3A_724 = arith.constant 0 : i32
          %dma_wait3A_725 = arith.constant 0 : i32
          %dma_wait3A_726 = tpu.memref_slice %arg8[%dma_wait3A_721, %dma_wait3A_722, %dma_wait3A_724, %dma_wait3A_725] : memref<2x2x201x64xf32, #tpu.memory_space<vmem>> -> memref<1x1x201x64xf32, #tpu.memory_space<vmem>>
          %dma_wait3A_727 = tpu.memref_squeeze %dma_wait3A_726 : memref<1x1x201x64xf32, #tpu.memory_space<vmem>> -> memref<201x64xf32, #tpu.memory_space<vmem>>
          %dma_wait3A_728 = arith.constant 0 : i32
          %dma_wait3A_729 = arith.constant 0 : i32
          %dma_wait3A_730 = tpu.memref_slice %arg6[%dma_wait3A_723, %dma_wait3A_728, %dma_wait3A_729] : memref<4096x201x64xf32, #tpu.memory_space<hbm>> -> memref<1x201x64xf32, #tpu.memory_space<hbm>>
          %dma_wait3A_731 = tpu.memref_squeeze %dma_wait3A_730 : memref<1x201x64xf32, #tpu.memory_space<hbm>> -> memref<201x64xf32, #tpu.memory_space<hbm>>
          %dma_wait3A_732 = arith.constant 0 : i32
          %dma_wait3A_733 = arith.constant 0 : i32
          %dma_wait3A_734 = tpu.memref_slice %arg6[%dma_wait3A_723, %dma_wait3A_732, %dma_wait3A_733] : memref<4096x201x64xf32, #tpu.memory_space<hbm>> -> memref<1x201x64xf32, #tpu.memory_space<hbm>>
          %dma_wait3A_735 = tpu.memref_squeeze %dma_wait3A_734 : memref<1x201x64xf32, #tpu.memory_space<hbm>> -> memref<201x64xf32, #tpu.memory_space<hbm>>
          %dma_wait3A_736 = arith.constant 0 : i32
          %dma_wait3A_737 = arith.constant 0 : i32
          %dma_wait3A_738 = tpu.memref_slice %arg8[%dma_wait3A_721, %dma_wait3A_722, %dma_wait3A_736, %dma_wait3A_737] : memref<2x2x201x64xf32, #tpu.memory_space<vmem>> -> memref<1x1x201x64xf32, #tpu.memory_space<vmem>>
          %dma_wait3A_739 = tpu.memref_squeeze %dma_wait3A_738 : memref<1x1x201x64xf32, #tpu.memory_space<vmem>> -> memref<201x64xf32, #tpu.memory_space<vmem>>
          tpu.wait_dma2 semaphore(%arg15 : memref<!tpu.dma_semaphore, #tpu.memory_space<semaphore_mem>>) src(%dma_wait3A_739 : memref<201x64xf32, #tpu.memory_space<vmem>>) dst(%dma_wait3A_735 : memref<201x64xf32, #tpu.memory_space<hbm>>)
          %dma_wait3A_740 = arith.constant 1 : i32
          %dma_wait3A_741 = arith.constant 1 : i32
          %dma_wait3A_742 = arith.constant 0 : i32
          %dma_wait3A_743 = arith.constant 0 : i32
          %dma_wait3A_744 = arith.constant 0 : i32
          %dma_wait3A_745 = tpu.memref_slice %arg8[%dma_wait3A_740, %dma_wait3A_741, %dma_wait3A_743, %dma_wait3A_744] : memref<2x2x201x64xf32, #tpu.memory_space<vmem>> -> memref<1x1x201x64xf32, #tpu.memory_space<vmem>>
          %dma_wait3A_746 = tpu.memref_squeeze %dma_wait3A_745 : memref<1x1x201x64xf32, #tpu.memory_space<vmem>> -> memref<201x64xf32, #tpu.memory_space<vmem>>
          %dma_wait3A_747 = arith.constant 0 : i32
          %dma_wait3A_748 = arith.constant 0 : i32
          %dma_wait3A_749 = tpu.memref_slice %arg6[%dma_wait3A_742, %dma_wait3A_747, %dma_wait3A_748] : memref<4096x201x64xf32, #tpu.memory_space<hbm>> -> memref<1x201x64xf32, #tpu.memory_space<hbm>>
          %dma_wait3A_750 = tpu.memref_squeeze %dma_wait3A_749 : memref<1x201x64xf32, #tpu.memory_space<hbm>> -> memref<201x64xf32, #tpu.memory_space<hbm>>
          %dma_wait3A_751 = arith.constant 0 : i32
          %dma_wait3A_752 = arith.constant 0 : i32
          %dma_wait3A_753 = tpu.memref_slice %arg6[%dma_wait3A_742, %dma_wait3A_751, %dma_wait3A_752] : memref<4096x201x64xf32, #tpu.memory_space<hbm>> -> memref<1x201x64xf32, #tpu.memory_space<hbm>>
          %dma_wait3A_754 = tpu.memref_squeeze %dma_wait3A_753 : memref<1x201x64xf32, #tpu.memory_space<hbm>> -> memref<201x64xf32, #tpu.memory_space<hbm>>
          %dma_wait3A_755 = arith.constant 0 : i32
          %dma_wait3A_756 = arith.constant 0 : i32
          %dma_wait3A_757 = tpu.memref_slice %arg8[%dma_wait3A_740, %dma_wait3A_741, %dma_wait3A_755, %dma_wait3A_756] : memref<2x2x201x64xf32, #tpu.memory_space<vmem>> -> memref<1x1x201x64xf32, #tpu.memory_space<vmem>>
          %dma_wait3A_758 = tpu.memref_squeeze %dma_wait3A_757 : memref<1x1x201x64xf32, #tpu.memory_space<vmem>> -> memref<201x64xf32, #tpu.memory_space<vmem>>
          tpu.wait_dma2 semaphore(%arg15 : memref<!tpu.dma_semaphore, #tpu.memory_space<semaphore_mem>>) src(%dma_wait3A_758 : memref<201x64xf32, #tpu.memory_space<vmem>>) dst(%dma_wait3A_754 : memref<201x64xf32, #tpu.memory_space<hbm>>)
        } else {
        }
        %add3A_659 = arith.constant 1 : i32
        %add3A_660 = arith.addi %add3A_151, %add3A_659 : i32
        %mul3A_661 = arith.constant 2 : i32
        %mul3A_662 = arith.muli %add3A_660, %mul3A_661 : i32
        %add3A_663 = arith.addi %mul3A_2, %mul3A_662 : i32
        %run_scoped3A_664 = arith.constant 1 : i32
        "tpu.region"() ({
          %run_scoped3A_721 = tpu.sem_alloc : memref<!tpu.dma_semaphore, #tpu.memory_space<semaphore_mem>>
          %dma_start3A_722 = arith.constant 0 : i32
          %dma_start3A_723 = arith.constant 0 : i32
          %dma_start3A_724 = tpu.memref_slice %arg7[%run_scoped3A_664, %dma_start3A_722, %dma_start3A_723] : memref<2x2x200xi32, #tpu.memory_space<vmem>> -> memref<1x2x200xi32, #tpu.memory_space<vmem>>
          %dma_start3A_725 = tpu.memref_squeeze %dma_start3A_724 : memref<1x2x200xi32, #tpu.memory_space<vmem>> -> memref<2x200xi32, #tpu.memory_space<vmem>>
          %dma_start3A_726 = arith.constant 0 : i32
          %dma_start3A_727 = tpu.memref_slice %arg2[%add3A_663, %dma_start3A_726] : memref<4096x200xi32, #tpu.memory_space<hbm>> -> memref<2x200xi32, #tpu.memory_space<hbm>>
          %dma_start3A_728 = arith.constant 0 : i32
          %dma_start3A_729 = arith.constant 0 : i32
          %dma_start3A_730 = tpu.memref_slice %arg7[%run_scoped3A_664, %dma_start3A_728, %dma_start3A_729] : memref<2x2x200xi32, #tpu.memory_space<vmem>> -> memref<1x2x200xi32, #tpu.memory_space<vmem>>
          %dma_start3A_731 = tpu.memref_squeeze %dma_start3A_730 : memref<1x2x200xi32, #tpu.memory_space<vmem>> -> memref<2x200xi32, #tpu.memory_space<vmem>>
          %dma_start3A_732 = arith.constant 0 : i32
          %dma_start3A_733 = tpu.memref_slice %arg2[%add3A_663, %dma_start3A_732] : memref<4096x200xi32, #tpu.memory_space<hbm>> -> memref<2x200xi32, #tpu.memory_space<hbm>>
          tpu.enqueue_dma source(%dma_start3A_733 : memref<2x200xi32, #tpu.memory_space<hbm>>) target(%dma_start3A_731 : memref<2x200xi32, #tpu.memory_space<vmem>>) target_semaphore(%run_scoped3A_721 : memref<!tpu.dma_semaphore, #tpu.memory_space<semaphore_mem>>)
          %dma_wait3A_734 = arith.constant 0 : i32
          %dma_wait3A_735 = arith.constant 0 : i32
          %dma_wait3A_736 = tpu.memref_slice %arg7[%run_scoped3A_664, %dma_wait3A_734, %dma_wait3A_735] : memref<2x2x200xi32, #tpu.memory_space<vmem>> -> memref<1x2x200xi32, #tpu.memory_space<vmem>>
          %dma_wait3A_737 = tpu.memref_squeeze %dma_wait3A_736 : memref<1x2x200xi32, #tpu.memory_space<vmem>> -> memref<2x200xi32, #tpu.memory_space<vmem>>
          %dma_wait3A_738 = arith.constant 0 : i32
          %dma_wait3A_739 = tpu.memref_slice %arg2[%add3A_663, %dma_wait3A_738] : memref<4096x200xi32, #tpu.memory_space<hbm>> -> memref<2x200xi32, #tpu.memory_space<hbm>>
          %dma_wait3A_740 = arith.constant 0 : i32
          %dma_wait3A_741 = arith.constant 0 : i32
          %dma_wait3A_742 = tpu.memref_slice %arg7[%run_scoped3A_664, %dma_wait3A_740, %dma_wait3A_741] : memref<2x2x200xi32, #tpu.memory_space<vmem>> -> memref<1x2x200xi32, #tpu.memory_space<vmem>>
          %dma_wait3A_743 = tpu.memref_squeeze %dma_wait3A_742 : memref<1x2x200xi32, #tpu.memory_space<vmem>> -> memref<2x200xi32, #tpu.memory_space<vmem>>
          %dma_wait3A_744 = arith.constant 0 : i32
          %dma_wait3A_745 = tpu.memref_slice %arg2[%add3A_663, %dma_wait3A_744] : memref<4096x200xi32, #tpu.memory_space<hbm>> -> memref<2x200xi32, #tpu.memory_space<hbm>>
          tpu.wait_dma2 semaphore(%run_scoped3A_721 : memref<!tpu.dma_semaphore, #tpu.memory_space<semaphore_mem>>) src(%dma_wait3A_745 : memref<2x200xi32, #tpu.memory_space<hbm>>) dst(%dma_wait3A_743 : memref<2x200xi32, #tpu.memory_space<vmem>>)
          tpu.yield
        }) : () -> ()
        %dma_start3A_665 = arith.constant 1 : i32
        %dma_start3A_666 = arith.constant 0 : i32
        %dma_start3A_667 = arith.constant 1 : i32
        %dma_start3A_668 = arith.constant 0 : i32
        %dma_start3A_669 = arith.constant 1 : i32
        %dma_start3A_670 = arith.constant 0 : i32
        %dma_start3A_671 = tpu.memref_slice %arg8[%dma_start3A_667, %dma_start3A_668, %dma_start3A_669, %dma_start3A_670] : memref<2x2x201x64xf32, #tpu.memory_space<vmem>> -> memref<1x1x104x64xf32, #tpu.memory_space<vmem>>
        %dma_start3A_672 = tpu.memref_squeeze %dma_start3A_671 : memref<1x1x104x64xf32, #tpu.memory_space<vmem>> -> memref<104x64xf32, #tpu.memory_space<vmem>>
        %dma_start3A_673 = arith.constant 0 : i32
        %dma_start3A_674 = tpu.memref_slice %arg7[%dma_start3A_665, %dma_start3A_666, %dma_start3A_673] : memref<2x2x200xi32, #tpu.memory_space<vmem>> -> memref<1x1x104xi32, #tpu.memory_space<vmem>>
        %dma_start3A_675 = tpu.memref_squeeze %dma_start3A_674 : memref<1x1x104xi32, #tpu.memory_space<vmem>> -> memref<104xi32, #tpu.memory_space<vmem>>
        %dma_start3A_676 = arith.constant 0 : i32
        %dma_start3A_677 = arith.constant 0 : i32
        %dma_start3A_678 = tpu.memref_slice %arg4[%dma_start3A_676, %dma_start3A_677] : memref<1000000x64xf32, #tpu.memory_space<hbm>> -> memref<1000000x64xf32, #tpu.memory_space<hbm>>
        tpu.enqueue_indirect_dma source(%dma_start3A_678 : memref<1000000x64xf32, #tpu.memory_space<hbm>>) target(%dma_start3A_672 : memref<104x64xf32, #tpu.memory_space<vmem>>) offsets(%dma_start3A_675 : memref<104xi32, #tpu.memory_space<vmem>>) semaphore(%arg13 : memref<!tpu.dma_semaphore, #tpu.memory_space<semaphore_mem>>)
        %dma_start3A_679 = arith.constant 1 : i32
        %dma_start3A_680 = arith.constant 0 : i32
        %dma_start3A_681 = arith.constant 1 : i32
        %dma_start3A_682 = arith.constant 0 : i32
        %dma_start3A_683 = arith.constant 105 : i32
        %dma_start3A_684 = arith.constant 0 : i32
        %dma_start3A_685 = tpu.memref_slice %arg8[%dma_start3A_681, %dma_start3A_682, %dma_start3A_683, %dma_start3A_684] : memref<2x2x201x64xf32, #tpu.memory_space<vmem>> -> memref<1x1x96x64xf32, #tpu.memory_space<vmem>>
        %dma_start3A_686 = tpu.memref_squeeze %dma_start3A_685 : memref<1x1x96x64xf32, #tpu.memory_space<vmem>> -> memref<96x64xf32, #tpu.memory_space<vmem>>
        %dma_start3A_687 = arith.constant 104 : i32
        %dma_start3A_688 = tpu.memref_slice %arg7[%dma_start3A_679, %dma_start3A_680, %dma_start3A_687] : memref<2x2x200xi32, #tpu.memory_space<vmem>> -> memref<1x1x96xi32, #tpu.memory_space<vmem>>
        %dma_start3A_689 = tpu.memref_squeeze %dma_start3A_688 : memref<1x1x96xi32, #tpu.memory_space<vmem>> -> memref<96xi32, #tpu.memory_space<vmem>>
        %dma_start3A_690 = arith.constant 0 : i32
        %dma_start3A_691 = arith.constant 0 : i32
        %dma_start3A_692 = tpu.memref_slice %arg4[%dma_start3A_690, %dma_start3A_691] : memref<1000000x64xf32, #tpu.memory_space<hbm>> -> memref<1000000x64xf32, #tpu.memory_space<hbm>>
        tpu.enqueue_indirect_dma source(%dma_start3A_692 : memref<1000000x64xf32, #tpu.memory_space<hbm>>) target(%dma_start3A_686 : memref<96x64xf32, #tpu.memory_space<vmem>>) offsets(%dma_start3A_689 : memref<96xi32, #tpu.memory_space<vmem>>) semaphore(%arg13 : memref<!tpu.dma_semaphore, #tpu.memory_space<semaphore_mem>>)
        %dma_start3A_693 = arith.constant 1 : i32
        %dma_start3A_694 = arith.constant 1 : i32
        %dma_start3A_695 = arith.constant 1 : i32
        %dma_start3A_696 = arith.constant 1 : i32
        %dma_start3A_697 = arith.constant 1 : i32
        %dma_start3A_698 = arith.constant 0 : i32
        %dma_start3A_699 = tpu.memref_slice %arg8[%dma_start3A_695, %dma_start3A_696, %dma_start3A_697, %dma_start3A_698] : memref<2x2x201x64xf32, #tpu.memory_space<vmem>> -> memref<1x1x104x64xf32, #tpu.memory_space<vmem>>
        %dma_start3A_700 = tpu.memref_squeeze %dma_start3A_699 : memref<1x1x104x64xf32, #tpu.memory_space<vmem>> -> memref<104x64xf32, #tpu.memory_space<vmem>>
        %dma_start3A_701 = arith.constant 0 : i32
        %dma_start3A_702 = tpu.memref_slice %arg7[%dma_start3A_693, %dma_start3A_694, %dma_start3A_701] : memref<2x2x200xi32, #tpu.memory_space<vmem>> -> memref<1x1x104xi32, #tpu.memory_space<vmem>>
        %dma_start3A_703 = tpu.memref_squeeze %dma_start3A_702 : memref<1x1x104xi32, #tpu.memory_space<vmem>> -> memref<104xi32, #tpu.memory_space<vmem>>
        %dma_start3A_704 = arith.constant 0 : i32
        %dma_start3A_705 = arith.constant 0 : i32
        %dma_start3A_706 = tpu.memref_slice %arg4[%dma_start3A_704, %dma_start3A_705] : memref<1000000x64xf32, #tpu.memory_space<hbm>> -> memref<1000000x64xf32, #tpu.memory_space<hbm>>
        tpu.enqueue_indirect_dma source(%dma_start3A_706 : memref<1000000x64xf32, #tpu.memory_space<hbm>>) target(%dma_start3A_700 : memref<104x64xf32, #tpu.memory_space<vmem>>) offsets(%dma_start3A_703 : memref<104xi32, #tpu.memory_space<vmem>>) semaphore(%arg13 : memref<!tpu.dma_semaphore, #tpu.memory_space<semaphore_mem>>)
        %dma_start3A_707 = arith.constant 1 : i32
        %dma_start3A_708 = arith.constant 1 : i32
        %dma_start3A_709 = arith.constant 1 : i32
        %dma_start3A_710 = arith.constant 1 : i32
        %dma_start3A_711 = arith.constant 105 : i32
        %dma_start3A_712 = arith.constant 0 : i32
        %dma_start3A_713 = tpu.memref_slice %arg8[%dma_start3A_709, %dma_start3A_710, %dma_start3A_711, %dma_start3A_712] : memref<2x2x201x64xf32, #tpu.memory_space<vmem>> -> memref<1x1x96x64xf32, #tpu.memory_space<vmem>>
        %dma_start3A_714 = tpu.memref_squeeze %dma_start3A_713 : memref<1x1x96x64xf32, #tpu.memory_space<vmem>> -> memref<96x64xf32, #tpu.memory_space<vmem>>
        %dma_start3A_715 = arith.constant 104 : i32
        %dma_start3A_716 = tpu.memref_slice %arg7[%dma_start3A_707, %dma_start3A_708, %dma_start3A_715] : memref<2x2x200xi32, #tpu.memory_space<vmem>> -> memref<1x1x96xi32, #tpu.memory_space<vmem>>
        %dma_start3A_717 = tpu.memref_squeeze %dma_start3A_716 : memref<1x1x96xi32, #tpu.memory_space<vmem>> -> memref<96xi32, #tpu.memory_space<vmem>>
        %dma_start3A_718 = arith.constant 0 : i32
        %dma_start3A_719 = arith.constant 0 : i32
        %dma_start3A_720 = tpu.memref_slice %arg4[%dma_start3A_718, %dma_start3A_719] : memref<1000000x64xf32, #tpu.memory_space<hbm>> -> memref<1000000x64xf32, #tpu.memory_space<hbm>>
        tpu.enqueue_indirect_dma source(%dma_start3A_720 : memref<1000000x64xf32, #tpu.memory_space<hbm>>) target(%dma_start3A_714 : memref<96x64xf32, #tpu.memory_space<vmem>>) offsets(%dma_start3A_717 : memref<96xi32, #tpu.memory_space<vmem>>) semaphore(%arg13 : memref<!tpu.dma_semaphore, #tpu.memory_space<semaphore_mem>>)
      } else {
      }
      %dma_wait3A_156 = arith.constant 0 : i32
      %dma_wait3A_157 = arith.constant 0 : i32
      %dma_wait3A_158 = arith.constant 0 : i32
      %dma_wait3A_159 = arith.constant 0 : i32
      %dma_wait3A_160 = arith.constant 1 : i32
      %dma_wait3A_161 = arith.constant 0 : i32
      %dma_wait3A_162 = tpu.memref_slice %arg8[%dma_wait3A_158, %dma_wait3A_159, %dma_wait3A_160, %dma_wait3A_161] : memref<2x2x201x64xf32, #tpu.memory_space<vmem>> -> memref<1x1x104x64xf32, #tpu.memory_space<vmem>>
      %dma_wait3A_163 = tpu.memref_squeeze %dma_wait3A_162 : memref<1x1x104x64xf32, #tpu.memory_space<vmem>> -> memref<104x64xf32, #tpu.memory_space<vmem>>
      %dma_wait3A_164 = arith.constant 0 : i32
      %dma_wait3A_165 = tpu.memref_slice %arg7[%dma_wait3A_156, %dma_wait3A_157, %dma_wait3A_164] : memref<2x2x200xi32, #tpu.memory_space<vmem>> -> memref<1x1x104xi32, #tpu.memory_space<vmem>>
      %dma_wait3A_166 = tpu.memref_squeeze %dma_wait3A_165 : memref<1x1x104xi32, #tpu.memory_space<vmem>> -> memref<104xi32, #tpu.memory_space<vmem>>
      %dma_wait3A_167 = arith.constant 0 : i32
      %dma_wait3A_168 = arith.constant 0 : i32
      %dma_wait3A_169 = tpu.memref_slice %arg4[%dma_wait3A_167, %dma_wait3A_168] : memref<1000000x64xf32, #tpu.memory_space<hbm>> -> memref<1000000x64xf32, #tpu.memory_space<hbm>>
      tpu.wait_indirect_dma semaphore(%arg12 : memref<!tpu.dma_semaphore, #tpu.memory_space<semaphore_mem>>) src(%dma_wait3A_169 : memref<1000000x64xf32, #tpu.memory_space<hbm>>) dst(%dma_wait3A_163 : memref<104x64xf32, #tpu.memory_space<vmem>>)
      %dma_wait3A_170 = arith.constant 0 : i32
      %dma_wait3A_171 = arith.constant 0 : i32
      %dma_wait3A_172 = arith.constant 0 : i32
      %dma_wait3A_173 = arith.constant 0 : i32
      %dma_wait3A_174 = arith.constant 105 : i32
      %dma_wait3A_175 = arith.constant 0 : i32
      %dma_wait3A_176 = tpu.memref_slice %arg8[%dma_wait3A_172, %dma_wait3A_173, %dma_wait3A_174, %dma_wait3A_175] : memref<2x2x201x64xf32, #tpu.memory_space<vmem>> -> memref<1x1x96x64xf32, #tpu.memory_space<vmem>>
      %dma_wait3A_177 = tpu.memref_squeeze %dma_wait3A_176 : memref<1x1x96x64xf32, #tpu.memory_space<vmem>> -> memref<96x64xf32, #tpu.memory_space<vmem>>
      %dma_wait3A_178 = arith.constant 104 : i32
      %dma_wait3A_179 = tpu.memref_slice %arg7[%dma_wait3A_170, %dma_wait3A_171, %dma_wait3A_178] : memref<2x2x200xi32, #tpu.memory_space<vmem>> -> memref<1x1x96xi32, #tpu.memory_space<vmem>>
      %dma_wait3A_180 = tpu.memref_squeeze %dma_wait3A_179 : memref<1x1x96xi32, #tpu.memory_space<vmem>> -> memref<96xi32, #tpu.memory_space<vmem>>
      %dma_wait3A_181 = arith.constant 0 : i32
      %dma_wait3A_182 = arith.constant 0 : i32
      %dma_wait3A_183 = tpu.memref_slice %arg4[%dma_wait3A_181, %dma_wait3A_182] : memref<1000000x64xf32, #tpu.memory_space<hbm>> -> memref<1000000x64xf32, #tpu.memory_space<hbm>>
      tpu.wait_indirect_dma semaphore(%arg12 : memref<!tpu.dma_semaphore, #tpu.memory_space<semaphore_mem>>) src(%dma_wait3A_183 : memref<1000000x64xf32, #tpu.memory_space<hbm>>) dst(%dma_wait3A_177 : memref<96x64xf32, #tpu.memory_space<vmem>>)
      %dma_wait3A_184 = arith.constant 0 : i32
      %dma_wait3A_185 = arith.constant 1 : i32
      %dma_wait3A_186 = arith.constant 0 : i32
      %dma_wait3A_187 = arith.constant 1 : i32
      %dma_wait3A_188 = arith.constant 1 : i32
      %dma_wait3A_189 = arith.constant 0 : i32
      %dma_wait3A_190 = tpu.memref_slice %arg8[%dma_wait3A_186, %dma_wait3A_187, %dma_wait3A_188, %dma_wait3A_189] : memref<2x2x201x64xf32, #tpu.memory_space<vmem>> -> memref<1x1x104x64xf32, #tpu.memory_space<vmem>>
      %dma_wait3A_191 = tpu.memref_squeeze %dma_wait3A_190 : memref<1x1x104x64xf32, #tpu.memory_space<vmem>> -> memref<104x64xf32, #tpu.memory_space<vmem>>
      %dma_wait3A_192 = arith.constant 0 : i32
      %dma_wait3A_193 = tpu.memref_slice %arg7[%dma_wait3A_184, %dma_wait3A_185, %dma_wait3A_192] : memref<2x2x200xi32, #tpu.memory_space<vmem>> -> memref<1x1x104xi32, #tpu.memory_space<vmem>>
      %dma_wait3A_194 = tpu.memref_squeeze %dma_wait3A_193 : memref<1x1x104xi32, #tpu.memory_space<vmem>> -> memref<104xi32, #tpu.memory_space<vmem>>
      %dma_wait3A_195 = arith.constant 0 : i32
      %dma_wait3A_196 = arith.constant 0 : i32
      %dma_wait3A_197 = tpu.memref_slice %arg4[%dma_wait3A_195, %dma_wait3A_196] : memref<1000000x64xf32, #tpu.memory_space<hbm>> -> memref<1000000x64xf32, #tpu.memory_space<hbm>>
      tpu.wait_indirect_dma semaphore(%arg12 : memref<!tpu.dma_semaphore, #tpu.memory_space<semaphore_mem>>) src(%dma_wait3A_197 : memref<1000000x64xf32, #tpu.memory_space<hbm>>) dst(%dma_wait3A_191 : memref<104x64xf32, #tpu.memory_space<vmem>>)
      %dma_wait3A_198 = arith.constant 0 : i32
      %dma_wait3A_199 = arith.constant 1 : i32
      %dma_wait3A_200 = arith.constant 0 : i32
      %dma_wait3A_201 = arith.constant 1 : i32
      %dma_wait3A_202 = arith.constant 105 : i32
      %dma_wait3A_203 = arith.constant 0 : i32
      %dma_wait3A_204 = tpu.memref_slice %arg8[%dma_wait3A_200, %dma_wait3A_201, %dma_wait3A_202, %dma_wait3A_203] : memref<2x2x201x64xf32, #tpu.memory_space<vmem>> -> memref<1x1x96x64xf32, #tpu.memory_space<vmem>>
      %dma_wait3A_205 = tpu.memref_squeeze %dma_wait3A_204 : memref<1x1x96x64xf32, #tpu.memory_space<vmem>> -> memref<96x64xf32, #tpu.memory_space<vmem>>
      %dma_wait3A_206 = arith.constant 104 : i32
      %dma_wait3A_207 = tpu.memref_slice %arg7[%dma_wait3A_198, %dma_wait3A_199, %dma_wait3A_206] : memref<2x2x200xi32, #tpu.memory_space<vmem>> -> memref<1x1x96xi32, #tpu.memory_space<vmem>>
      %dma_wait3A_208 = tpu.memref_squeeze %dma_wait3A_207 : memref<1x1x96xi32, #tpu.memory_space<vmem>> -> memref<96xi32, #tpu.memory_space<vmem>>
      %dma_wait3A_209 = arith.constant 0 : i32
      %dma_wait3A_210 = arith.constant 0 : i32
      %dma_wait3A_211 = tpu.memref_slice %arg4[%dma_wait3A_209, %dma_wait3A_210] : memref<1000000x64xf32, #tpu.memory_space<hbm>> -> memref<1000000x64xf32, #tpu.memory_space<hbm>>
      tpu.wait_indirect_dma semaphore(%arg12 : memref<!tpu.dma_semaphore, #tpu.memory_space<semaphore_mem>>) src(%dma_wait3A_211 : memref<1000000x64xf32, #tpu.memory_space<hbm>>) dst(%dma_wait3A_205 : memref<96x64xf32, #tpu.memory_space<vmem>>)
      %mul3A_212 = arith.constant 2 : i32
      %mul3A_213 = arith.muli %add3A_151, %mul3A_212 : i32
      %add3A_214 = arith.constant 0 : i32
      %add3A_215 = arith.addi %mul3A_213, %add3A_214 : i32
      %get3A = arith.index_cast %add3A_215 : i32 to index
      %get3A_216 = arith.constant 0 : index
      %get3A_217 = tpu.vector_load %arg10[%get3A, %get3A_216] {strides = array<i32>} : memref<128x64xf32, #tpu.memory_space<vmem>>, vector<1x16xf32>,
      %get3A_218 = vector.shape_cast %get3A_217 : vector<1x16xf32> to vector<16xf32>
      %swap3A = arith.constant 0 : i32
      %swap3A_219 = arith.constant 0 : i32
      %swap3A_220 = arith.constant 0 : i32
      %swap3A_221 = arith.index_cast %swap3A : i32 to index
      %swap3A_222 = arith.index_cast %swap3A_219 : i32 to index
      %swap3A_223 = arith.index_cast %swap3A_220 : i32 to index
      %swap3A_224 = arith.constant 0 : index
      %swap3A_225 = tpu.vector_load %arg8[%swap3A_221, %swap3A_222, %swap3A_223, %swap3A_224] {strides = array<i32>} : memref<2x2x201x64xf32, #tpu.memory_space<vmem>>, vector<1x1x1x16xf32>,
      %swap3A_226 = vector.shape_cast %swap3A_225 : vector<1x1x1x16xf32> to vector<16xf32>
      %swap3A_227 = vector.shape_cast %get3A_218 : vector<16xf32> to vector<1x1x1x16xf32>
      tpu.vector_store %arg8[%swap3A_221, %swap3A_222, %swap3A_223, %swap3A_224], %swap3A_227 {strides = array<i32>} : memref<2x2x201x64xf32, #tpu.memory_space<vmem>>, vector<1x1x1x16xf32>,
      %mul3A_228 = arith.constant 2 : i32
      %mul3A_229 = arith.muli %add3A_151, %mul3A_228 : i32
      %add3A_230 = arith.constant 0 : i32
      %add3A_231 = arith.addi %mul3A_229, %add3A_230 : i32
      %get3A_232 = arith.index_cast %add3A_231 : i32 to index
      %get3A_233 = arith.constant 16 : index
      %get3A_234 = tpu.vector_load %arg10[%get3A_232, %get3A_233] {strides = array<i32>} : memref<128x64xf32, #tpu.memory_space<vmem>>, vector<1x16xf32>,
      %get3A_235 = vector.shape_cast %get3A_234 : vector<1x16xf32> to vector<16xf32>
      %swap3A_236 = arith.constant 0 : i32
      %swap3A_237 = arith.constant 0 : i32
      %swap3A_238 = arith.constant 0 : i32
      %swap3A_239 = arith.index_cast %swap3A_236 : i32 to index
      %swap3A_240 = arith.index_cast %swap3A_237 : i32 to index
      %swap3A_241 = arith.index_cast %swap3A_238 : i32 to index
      %swap3A_242 = arith.constant 16 : index
      %swap3A_243 = tpu.vector_load %arg8[%swap3A_239, %swap3A_240, %swap3A_241, %swap3A_242] {strides = array<i32>} : memref<2x2x201x64xf32, #tpu.memory_space<vmem>>, vector<1x1x1x16xf32>,
      %swap3A_244 = vector.shape_cast %swap3A_243 : vector<1x1x1x16xf32> to vector<16xf32>
      %swap3A_245 = vector.shape_cast %get3A_235 : vector<16xf32> to vector<1x1x1x16xf32>
      tpu.vector_store %arg8[%swap3A_239, %swap3A_240, %swap3A_241, %swap3A_242], %swap3A_245 {strides = array<i32>} : memref<2x2x201x64xf32, #tpu.memory_space<vmem>>, vector<1x1x1x16xf32>,
      %mul3A_246 = arith.constant 2 : i32
      %mul3A_247 = arith.muli %add3A_151, %mul3A_246 : i32
      %add3A_248 = arith.constant 0 : i32
      %add3A_249 = arith.addi %mul3A_247, %add3A_248 : i32
      %get3A_250 = arith.index_cast %add3A_249 : i32 to index
      %get3A_251 = arith.constant 32 : index
      %get3A_252 = tpu.vector_load %arg10[%get3A_250, %get3A_251] {strides = array<i32>} : memref<128x64xf32, #tpu.memory_space<vmem>>, vector<1x16xf32>,
      %get3A_253 = vector.shape_cast %get3A_252 : vector<1x16xf32> to vector<16xf32>
      %swap3A_254 = arith.constant 0 : i32
      %swap3A_255 = arith.constant 0 : i32
      %swap3A_256 = arith.constant 0 : i32
      %swap3A_257 = arith.index_cast %swap3A_254 : i32 to index
      %swap3A_258 = arith.index_cast %swap3A_255 : i32 to index
      %swap3A_259 = arith.index_cast %swap3A_256 : i32 to index
      %swap3A_260 = arith.constant 32 : index
      %swap3A_261 = tpu.vector_load %arg8[%swap3A_257, %swap3A_258, %swap3A_259, %swap3A_260] {strides = array<i32>} : memref<2x2x201x64xf32, #tpu.memory_space<vmem>>, vector<1x1x1x16xf32>,
      %swap3A_262 = vector.shape_cast %swap3A_261 : vector<1x1x1x16xf32> to vector<16xf32>
      %swap3A_263 = vector.shape_cast %get3A_253 : vector<16xf32> to vector<1x1x1x16xf32>
      tpu.vector_store %arg8[%swap3A_257, %swap3A_258, %swap3A_259, %swap3A_260], %swap3A_263 {strides = array<i32>} : memref<2x2x201x64xf32, #tpu.memory_space<vmem>>, vector<1x1x1x16xf32>,
      %mul3A_264 = arith.constant 2 : i32
      %mul3A_265 = arith.muli %add3A_151, %mul3A_264 : i32
      %add3A_266 = arith.constant 0 : i32
      %add3A_267 = arith.addi %mul3A_265, %add3A_266 : i32
      %get3A_268 = arith.index_cast %add3A_267 : i32 to index
      %get3A_269 = arith.constant 48 : index
      %get3A_270 = tpu.vector_load %arg10[%get3A_268, %get3A_269] {strides = array<i32>} : memref<128x64xf32, #tpu.memory_space<vmem>>, vector<1x16xf32>,
      %get3A_271 = vector.shape_cast %get3A_270 : vector<1x16xf32> to vector<16xf32>
      %swap3A_272 = arith.constant 0 : i32
      %swap3A_273 = arith.constant 0 : i32
      %swap3A_274 = arith.constant 0 : i32
      %swap3A_275 = arith.index_cast %swap3A_272 : i32 to index
      %swap3A_276 = arith.index_cast %swap3A_273 : i32 to index
      %swap3A_277 = arith.index_cast %swap3A_274 : i32 to index
      %swap3A_278 = arith.constant 48 : index
      %swap3A_279 = tpu.vector_load %arg8[%swap3A_275, %swap3A_276, %swap3A_277, %swap3A_278] {strides = array<i32>} : memref<2x2x201x64xf32, #tpu.memory_space<vmem>>, vector<1x1x1x16xf32>,
      %swap3A_280 = vector.shape_cast %swap3A_279 : vector<1x1x1x16xf32> to vector<16xf32>
      %swap3A_281 = vector.shape_cast %get3A_271 : vector<16xf32> to vector<1x1x1x16xf32>
      tpu.vector_store %arg8[%swap3A_275, %swap3A_276, %swap3A_277, %swap3A_278], %swap3A_281 {strides = array<i32>} : memref<2x2x201x64xf32, #tpu.memory_space<vmem>>, vector<1x1x1x16xf32>,
      %mul3A_282 = arith.constant 2 : i32
      %mul3A_283 = arith.muli %add3A_151, %mul3A_282 : i32
      %add3A_284 = arith.addi %mul3A_2, %mul3A_283 : i32
      %add3A_285 = arith.constant 0 : i32
      %add3A_286 = arith.addi %add3A_284, %add3A_285 : i32
      %dma_start3A_287 = arith.constant 0 : i32
      %dma_start3A_288 = arith.constant 0 : i32
      %dma_start3A_289 = arith.constant 0 : i32
      %dma_start3A_290 = arith.constant 0 : i32
      %dma_start3A_291 = tpu.memref_slice %arg8[%dma_start3A_287, %dma_start3A_288, %dma_start3A_289, %dma_start3A_290] : memref<2x2x201x64xf32, #tpu.memory_space<vmem>> -> memref<1x1x201x64xf32, #tpu.memory_space<vmem>>
      %dma_start3A_292 = tpu.memref_squeeze %dma_start3A_291 : memref<1x1x201x64xf32, #tpu.memory_space<vmem>> -> memref<201x64xf32, #tpu.memory_space<vmem>>
      %dma_start3A_293 = arith.constant 0 : i32
      %dma_start3A_294 = arith.constant 0 : i32
      %dma_start3A_295 = tpu.memref_slice %arg6[%add3A_286, %dma_start3A_293, %dma_start3A_294] : memref<4096x201x64xf32, #tpu.memory_space<hbm>> -> memref<1x201x64xf32, #tpu.memory_space<hbm>>
      %dma_start3A_296 = tpu.memref_squeeze %dma_start3A_295 : memref<1x201x64xf32, #tpu.memory_space<hbm>> -> memref<201x64xf32, #tpu.memory_space<hbm>>
      %dma_start3A_297 = arith.constant 0 : i32
      %dma_start3A_298 = arith.constant 0 : i32
      %dma_start3A_299 = tpu.memref_slice %arg6[%add3A_286, %dma_start3A_297, %dma_start3A_298] : memref<4096x201x64xf32, #tpu.memory_space<hbm>> -> memref<1x201x64xf32, #tpu.memory_space<hbm>>
      %dma_start3A_300 = tpu.memref_squeeze %dma_start3A_299 : memref<1x201x64xf32, #tpu.memory_space<hbm>> -> memref<201x64xf32, #tpu.memory_space<hbm>>
      %dma_start3A_301 = arith.constant 0 : i32
      %dma_start3A_302 = arith.constant 0 : i32
      %dma_start3A_303 = tpu.memref_slice %arg8[%dma_start3A_287, %dma_start3A_288, %dma_start3A_301, %dma_start3A_302] : memref<2x2x201x64xf32, #tpu.memory_space<vmem>> -> memref<1x1x201x64xf32, #tpu.memory_space<vmem>>
      %dma_start3A_304 = tpu.memref_squeeze %dma_start3A_303 : memref<1x1x201x64xf32, #tpu.memory_space<vmem>> -> memref<201x64xf32, #tpu.memory_space<vmem>>
      tpu.enqueue_dma source(%dma_start3A_304 : memref<201x64xf32, #tpu.memory_space<vmem>>) target(%dma_start3A_300 : memref<201x64xf32, #tpu.memory_space<hbm>>) target_semaphore(%arg14 : memref<!tpu.dma_semaphore, #tpu.memory_space<semaphore_mem>>)
      %mul3A_305 = arith.constant 2 : i32
      %mul3A_306 = arith.muli %add3A_151, %mul3A_305 : i32
      %add3A_307 = arith.constant 1 : i32
      %add3A_308 = arith.addi %mul3A_306, %add3A_307 : i32
      %get3A_309 = arith.index_cast %add3A_308 : i32 to index
      %get3A_310 = arith.constant 0 : index
      %get3A_311 = tpu.vector_load %arg10[%get3A_309, %get3A_310] {strides = array<i32>} : memref<128x64xf32, #tpu.memory_space<vmem>>, vector<1x16xf32>,
      %get3A_312 = vector.shape_cast %get3A_311 : vector<1x16xf32> to vector<16xf32>
      %swap3A_313 = arith.constant 0 : i32
      %swap3A_314 = arith.constant 1 : i32
      %swap3A_315 = arith.constant 0 : i32
      %swap3A_316 = arith.index_cast %swap3A_313 : i32 to index
      %swap3A_317 = arith.index_cast %swap3A_314 : i32 to index
      %swap3A_318 = arith.index_cast %swap3A_315 : i32 to index
      %swap3A_319 = arith.constant 0 : index
      %swap3A_320 = tpu.vector_load %arg8[%swap3A_316, %swap3A_317, %swap3A_318, %swap3A_319] {strides = array<i32>} : memref<2x2x201x64xf32, #tpu.memory_space<vmem>>, vector<1x1x1x16xf32>,
      %swap3A_321 = vector.shape_cast %swap3A_320 : vector<1x1x1x16xf32> to vector<16xf32>
      %swap3A_322 = vector.shape_cast %get3A_312 : vector<16xf32> to vector<1x1x1x16xf32>
      tpu.vector_store %arg8[%swap3A_316, %swap3A_317, %swap3A_318, %swap3A_319], %swap3A_322 {strides = array<i32>} : memref<2x2x201x64xf32, #tpu.memory_space<vmem>>, vector<1x1x1x16xf32>,
      %mul3A_323 = arith.constant 2 : i32
      %mul3A_324 = arith.muli %add3A_151, %mul3A_323 : i32
      %add3A_325 = arith.constant 1 : i32
      %add3A_326 = arith.addi %mul3A_324, %add3A_325 : i32
      %get3A_327 = arith.index_cast %add3A_326 : i32 to index
      %get3A_328 = arith.constant 16 : index
      %get3A_329 = tpu.vector_load %arg10[%get3A_327, %get3A_328] {strides = array<i32>} : memref<128x64xf32, #tpu.memory_space<vmem>>, vector<1x16xf32>,
      %get3A_330 = vector.shape_cast %get3A_329 : vector<1x16xf32> to vector<16xf32>
      %swap3A_331 = arith.constant 0 : i32
      %swap3A_332 = arith.constant 1 : i32
      %swap3A_333 = arith.constant 0 : i32
      %swap3A_334 = arith.index_cast %swap3A_331 : i32 to index
      %swap3A_335 = arith.index_cast %swap3A_332 : i32 to index
      %swap3A_336 = arith.index_cast %swap3A_333 : i32 to index
      %swap3A_337 = arith.constant 16 : index
      %swap3A_338 = tpu.vector_load %arg8[%swap3A_334, %swap3A_335, %swap3A_336, %swap3A_337] {strides = array<i32>} : memref<2x2x201x64xf32, #tpu.memory_space<vmem>>, vector<1x1x1x16xf32>,
      %swap3A_339 = vector.shape_cast %swap3A_338 : vector<1x1x1x16xf32> to vector<16xf32>
      %swap3A_340 = vector.shape_cast %get3A_330 : vector<16xf32> to vector<1x1x1x16xf32>
      tpu.vector_store %arg8[%swap3A_334, %swap3A_335, %swap3A_336, %swap3A_337], %swap3A_340 {strides = array<i32>} : memref<2x2x201x64xf32, #tpu.memory_space<vmem>>, vector<1x1x1x16xf32>,
      %mul3A_341 = arith.constant 2 : i32
      %mul3A_342 = arith.muli %add3A_151, %mul3A_341 : i32
      %add3A_343 = arith.constant 1 : i32
      %add3A_344 = arith.addi %mul3A_342, %add3A_343 : i32
      %get3A_345 = arith.index_cast %add3A_344 : i32 to index
      %get3A_346 = arith.constant 32 : index
      %get3A_347 = tpu.vector_load %arg10[%get3A_345, %get3A_346] {strides = array<i32>} : memref<128x64xf32, #tpu.memory_space<vmem>>, vector<1x16xf32>,
      %get3A_348 = vector.shape_cast %get3A_347 : vector<1x16xf32> to vector<16xf32>
      %swap3A_349 = arith.constant 0 : i32
      %swap3A_350 = arith.constant 1 : i32
      %swap3A_351 = arith.constant 0 : i32
      %swap3A_352 = arith.index_cast %swap3A_349 : i32 to index
      %swap3A_353 = arith.index_cast %swap3A_350 : i32 to index
      %swap3A_354 = arith.index_cast %swap3A_351 : i32 to index
      %swap3A_355 = arith.constant 32 : index
      %swap3A_356 = tpu.vector_load %arg8[%swap3A_352, %swap3A_353, %swap3A_354, %swap3A_355] {strides = array<i32>} : memref<2x2x201x64xf32, #tpu.memory_space<vmem>>, vector<1x1x1x16xf32>,
      %swap3A_357 = vector.shape_cast %swap3A_356 : vector<1x1x1x16xf32> to vector<16xf32>
      %swap3A_358 = vector.shape_cast %get3A_348 : vector<16xf32> to vector<1x1x1x16xf32>
      tpu.vector_store %arg8[%swap3A_352, %swap3A_353, %swap3A_354, %swap3A_355], %swap3A_358 {strides = array<i32>} : memref<2x2x201x64xf32, #tpu.memory_space<vmem>>, vector<1x1x1x16xf32>,
      %mul3A_359 = arith.constant 2 : i32
      %mul3A_360 = arith.muli %add3A_151, %mul3A_359 : i32
      %add3A_361 = arith.constant 1 : i32
      %add3A_362 = arith.addi %mul3A_360, %add3A_361 : i32
      %get3A_363 = arith.index_cast %add3A_362 : i32 to index
      %get3A_364 = arith.constant 48 : index
      %get3A_365 = tpu.vector_load %arg10[%get3A_363, %get3A_364] {strides = array<i32>} : memref<128x64xf32, #tpu.memory_space<vmem>>, vector<1x16xf32>,
      %get3A_366 = vector.shape_cast %get3A_365 : vector<1x16xf32> to vector<16xf32>
      %swap3A_367 = arith.constant 0 : i32
      %swap3A_368 = arith.constant 1 : i32
      %swap3A_369 = arith.constant 0 : i32
      %swap3A_370 = arith.index_cast %swap3A_367 : i32 to index
      %swap3A_371 = arith.index_cast %swap3A_368 : i32 to index
      %swap3A_372 = arith.index_cast %swap3A_369 : i32 to index
      %swap3A_373 = arith.constant 48 : index
      %swap3A_374 = tpu.vector_load %arg8[%swap3A_370, %swap3A_371, %swap3A_372, %swap3A_373] {strides = array<i32>} : memref<2x2x201x64xf32, #tpu.memory_space<vmem>>, vector<1x1x1x16xf32>,
      %swap3A_375 = vector.shape_cast %swap3A_374 : vector<1x1x1x16xf32> to vector<16xf32>
      %swap3A_376 = vector.shape_cast %get3A_366 : vector<16xf32> to vector<1x1x1x16xf32>
      tpu.vector_store %arg8[%swap3A_370, %swap3A_371, %swap3A_372, %swap3A_373], %swap3A_376 {strides = array<i32>} : memref<2x2x201x64xf32, #tpu.memory_space<vmem>>, vector<1x1x1x16xf32>,
      %mul3A_377 = arith.constant 2 : i32
      %mul3A_378 = arith.muli %add3A_151, %mul3A_377 : i32
      %add3A_379 = arith.addi %mul3A_2, %mul3A_378 : i32
      %add3A_380 = arith.constant 1 : i32
      %add3A_381 = arith.addi %add3A_379, %add3A_380 : i32
      %dma_start3A_382 = arith.constant 0 : i32
      %dma_start3A_383 = arith.constant 1 : i32
      %dma_start3A_384 = arith.constant 0 : i32
      %dma_start3A_385 = arith.constant 0 : i32
      %dma_start3A_386 = tpu.memref_slice %arg8[%dma_start3A_382, %dma_start3A_383, %dma_start3A_384, %dma_start3A_385] : memref<2x2x201x64xf32, #tpu.memory_space<vmem>> -> memref<1x1x201x64xf32, #tpu.memory_space<vmem>>
      %dma_start3A_387 = tpu.memref_squeeze %dma_start3A_386 : memref<1x1x201x64xf32, #tpu.memory_space<vmem>> -> memref<201x64xf32, #tpu.memory_space<vmem>>
      %dma_start3A_388 = arith.constant 0 : i32
      %dma_start3A_389 = arith.constant 0 : i32
      %dma_start3A_390 = tpu.memref_slice %arg6[%add3A_381, %dma_start3A_388, %dma_start3A_389] : memref<4096x201x64xf32, #tpu.memory_space<hbm>> -> memref<1x201x64xf32, #tpu.memory_space<hbm>>
      %dma_start3A_391 = tpu.memref_squeeze %dma_start3A_390 : memref<1x201x64xf32, #tpu.memory_space<hbm>> -> memref<201x64xf32, #tpu.memory_space<hbm>>
      %dma_start3A_392 = arith.constant 0 : i32
      %dma_start3A_393 = arith.constant 0 : i32
      %dma_start3A_394 = tpu.memref_slice %arg6[%add3A_381, %dma_start3A_392, %dma_start3A_393] : memref<4096x201x64xf32, #tpu.memory_space<hbm>> -> memref<1x201x64xf32, #tpu.memory_space<hbm>>
      %dma_start3A_395 = tpu.memref_squeeze %dma_start3A_394 : memref<1x201x64xf32, #tpu.memory_space<hbm>> -> memref<201x64xf32, #tpu.memory_space<hbm>>
      %dma_start3A_396 = arith.constant 0 : i32
      %dma_start3A_397 = arith.constant 0 : i32
      %dma_start3A_398 = tpu.memref_slice %arg8[%dma_start3A_382, %dma_start3A_383, %dma_start3A_396, %dma_start3A_397] : memref<2x2x201x64xf32, #tpu.memory_space<vmem>> -> memref<1x1x201x64xf32, #tpu.memory_space<vmem>>
      %dma_start3A_399 = tpu.memref_squeeze %dma_start3A_398 : memref<1x1x201x64xf32, #tpu.memory_space<vmem>> -> memref<201x64xf32, #tpu.memory_space<vmem>>
      tpu.enqueue_dma source(%dma_start3A_399 : memref<201x64xf32, #tpu.memory_space<vmem>>) target(%dma_start3A_395 : memref<201x64xf32, #tpu.memory_space<hbm>>) target_semaphore(%arg14 : memref<!tpu.dma_semaphore, #tpu.memory_space<semaphore_mem>>)
      %add3A_400 = arith.constant 1 : i32
      %add3A_401 = arith.addi %add3A_149, %add3A_400 : i32
      %add3A_402 = arith.constant 1 : i32
      %add3A_403 = arith.addi %add3A_401, %add3A_402 : i32
      %lt3A_404 = arith.constant 64 : i32
      %lt3A_405 = arith.cmpi slt, %add3A_403, %lt3A_404 : i32
      %convert_element_type3A_406 = arith.extui %lt3A_405 : i1 to i32
      %cond3A_407 = arith.constant 0 : i32
      %cond3A_408 = arith.cmpi ne, %convert_element_type3A_406, %cond3A_407 : i32
      scf.if %cond3A_408 {
        %ge3A = arith.constant 1 : i32
        %ge3A_655 = arith.cmpi sge, %add3A_401, %ge3A : i32
        %convert_element_type3A_656 = arith.extui %ge3A_655 : i1 to i32
        %cond3A_657 = arith.constant 0 : i32
        %cond3A_658 = arith.cmpi ne, %convert_element_type3A_656, %cond3A_657 : i32
        scf.if %cond3A_658 {
          %dma_wait3A_721 = arith.constant 0 : i32
          %dma_wait3A_722 = arith.constant 0 : i32
          %dma_wait3A_723 = arith.constant 0 : i32
          %dma_wait3A_724 = arith.constant 0 : i32
          %dma_wait3A_725 = arith.constant 0 : i32
          %dma_wait3A_726 = tpu.memref_slice %arg8[%dma_wait3A_721, %dma_wait3A_722, %dma_wait3A_724, %dma_wait3A_725] : memref<2x2x201x64xf32, #tpu.memory_space<vmem>> -> memref<1x1x201x64xf32, #tpu.memory_space<vmem>>
          %dma_wait3A_727 = tpu.memref_squeeze %dma_wait3A_726 : memref<1x1x201x64xf32, #tpu.memory_space<vmem>> -> memref<201x64xf32, #tpu.memory_space<vmem>>
          %dma_wait3A_728 = arith.constant 0 : i32
          %dma_wait3A_729 = arith.constant 0 : i32
          %dma_wait3A_730 = tpu.memref_slice %arg6[%dma_wait3A_723, %dma_wait3A_728, %dma_wait3A_729] : memref<4096x201x64xf32, #tpu.memory_space<hbm>> -> memref<1x201x64xf32, #tpu.memory_space<hbm>>
          %dma_wait3A_731 = tpu.memref_squeeze %dma_wait3A_730 : memref<1x201x64xf32, #tpu.memory_space<hbm>> -> memref<201x64xf32, #tpu.memory_space<hbm>>
          %dma_wait3A_732 = arith.constant 0 : i32
          %dma_wait3A_733 = arith.constant 0 : i32
          %dma_wait3A_734 = tpu.memref_slice %arg6[%dma_wait3A_723, %dma_wait3A_732, %dma_wait3A_733] : memref<4096x201x64xf32, #tpu.memory_space<hbm>> -> memref<1x201x64xf32, #tpu.memory_space<hbm>>
          %dma_wait3A_735 = tpu.memref_squeeze %dma_wait3A_734 : memref<1x201x64xf32, #tpu.memory_space<hbm>> -> memref<201x64xf32, #tpu.memory_space<hbm>>
          %dma_wait3A_736 = arith.constant 0 : i32
          %dma_wait3A_737 = arith.constant 0 : i32
          %dma_wait3A_738 = tpu.memref_slice %arg8[%dma_wait3A_721, %dma_wait3A_722, %dma_wait3A_736, %dma_wait3A_737] : memref<2x2x201x64xf32, #tpu.memory_space<vmem>> -> memref<1x1x201x64xf32, #tpu.memory_space<vmem>>
          %dma_wait3A_739 = tpu.memref_squeeze %dma_wait3A_738 : memref<1x1x201x64xf32, #tpu.memory_space<vmem>> -> memref<201x64xf32, #tpu.memory_space<vmem>>
          tpu.wait_dma2 semaphore(%arg14 : memref<!tpu.dma_semaphore, #tpu.memory_space<semaphore_mem>>) src(%dma_wait3A_739 : memref<201x64xf32, #tpu.memory_space<vmem>>) dst(%dma_wait3A_735 : memref<201x64xf32, #tpu.memory_space<hbm>>)
          %dma_wait3A_740 = arith.constant 0 : i32
          %dma_wait3A_741 = arith.constant 1 : i32
          %dma_wait3A_742 = arith.constant 0 : i32
          %dma_wait3A_743 = arith.constant 0 : i32
          %dma_wait3A_744 = arith.constant 0 : i32
          %dma_wait3A_745 = tpu.memref_slice %arg8[%dma_wait3A_740, %dma_wait3A_741, %dma_wait3A_743, %dma_wait3A_744] : memref<2x2x201x64xf32, #tpu.memory_space<vmem>> -> memref<1x1x201x64xf32, #tpu.memory_space<vmem>>
          %dma_wait3A_746 = tpu.memref_squeeze %dma_wait3A_745 : memref<1x1x201x64xf32, #tpu.memory_space<vmem>> -> memref<201x64xf32, #tpu.memory_space<vmem>>
          %dma_wait3A_747 = arith.constant 0 : i32
          %dma_wait3A_748 = arith.constant 0 : i32
          %dma_wait3A_749 = tpu.memref_slice %arg6[%dma_wait3A_742, %dma_wait3A_747, %dma_wait3A_748] : memref<4096x201x64xf32, #tpu.memory_space<hbm>> -> memref<1x201x64xf32, #tpu.memory_space<hbm>>
          %dma_wait3A_750 = tpu.memref_squeeze %dma_wait3A_749 : memref<1x201x64xf32, #tpu.memory_space<hbm>> -> memref<201x64xf32, #tpu.memory_space<hbm>>
          %dma_wait3A_751 = arith.constant 0 : i32
          %dma_wait3A_752 = arith.constant 0 : i32
          %dma_wait3A_753 = tpu.memref_slice %arg6[%dma_wait3A_742, %dma_wait3A_751, %dma_wait3A_752] : memref<4096x201x64xf32, #tpu.memory_space<hbm>> -> memref<1x201x64xf32, #tpu.memory_space<hbm>>
          %dma_wait3A_754 = tpu.memref_squeeze %dma_wait3A_753 : memref<1x201x64xf32, #tpu.memory_space<hbm>> -> memref<201x64xf32, #tpu.memory_space<hbm>>
          %dma_wait3A_755 = arith.constant 0 : i32
          %dma_wait3A_756 = arith.constant 0 : i32
          %dma_wait3A_757 = tpu.memref_slice %arg8[%dma_wait3A_740, %dma_wait3A_741, %dma_wait3A_755, %dma_wait3A_756] : memref<2x2x201x64xf32, #tpu.memory_space<vmem>> -> memref<1x1x201x64xf32, #tpu.memory_space<vmem>>
          %dma_wait3A_758 = tpu.memref_squeeze %dma_wait3A_757 : memref<1x1x201x64xf32, #tpu.memory_space<vmem>> -> memref<201x64xf32, #tpu.memory_space<vmem>>
          tpu.wait_dma2 semaphore(%arg14 : memref<!tpu.dma_semaphore, #tpu.memory_space<semaphore_mem>>) src(%dma_wait3A_758 : memref<201x64xf32, #tpu.memory_space<vmem>>) dst(%dma_wait3A_754 : memref<201x64xf32, #tpu.memory_space<hbm>>)
        } else {
        }
        %add3A_659 = arith.constant 1 : i32
        %add3A_660 = arith.addi %add3A_401, %add3A_659 : i32
        %mul3A_661 = arith.constant 2 : i32
        %mul3A_662 = arith.muli %add3A_660, %mul3A_661 : i32
        %add3A_663 = arith.addi %mul3A_2, %mul3A_662 : i32
        %run_scoped3A_664 = arith.constant 0 : i32
        "tpu.region"() ({
          %run_scoped3A_721 = tpu.sem_alloc : memref<!tpu.dma_semaphore, #tpu.memory_space<semaphore_mem>>
          %dma_start3A_722 = arith.constant 0 : i32
          %dma_start3A_723 = arith.constant 0 : i32
          %dma_start3A_724 = tpu.memref_slice %arg7[%run_scoped3A_664, %dma_start3A_722, %dma_start3A_723] : memref<2x2x200xi32, #tpu.memory_space<vmem>> -> memref<1x2x200xi32, #tpu.memory_space<vmem>>
          %dma_start3A_725 = tpu.memref_squeeze %dma_start3A_724 : memref<1x2x200xi32, #tpu.memory_space<vmem>> -> memref<2x200xi32, #tpu.memory_space<vmem>>
          %dma_start3A_726 = arith.constant 0 : i32
          %dma_start3A_727 = tpu.memref_slice %arg2[%add3A_663, %dma_start3A_726] : memref<4096x200xi32, #tpu.memory_space<hbm>> -> memref<2x200xi32, #tpu.memory_space<hbm>>
          %dma_start3A_728 = arith.constant 0 : i32
          %dma_start3A_729 = arith.constant 0 : i32
          %dma_start3A_730 = tpu.memref_slice %arg7[%run_scoped3A_664, %dma_start3A_728, %dma_start3A_729] : memref<2x2x200xi32, #tpu.memory_space<vmem>> -> memref<1x2x200xi32, #tpu.memory_space<vmem>>
          %dma_start3A_731 = tpu.memref_squeeze %dma_start3A_730 : memref<1x2x200xi32, #tpu.memory_space<vmem>> -> memref<2x200xi32, #tpu.memory_space<vmem>>
          %dma_start3A_732 = arith.constant 0 : i32
          %dma_start3A_733 = tpu.memref_slice %arg2[%add3A_663, %dma_start3A_732] : memref<4096x200xi32, #tpu.memory_space<hbm>> -> memref<2x200xi32, #tpu.memory_space<hbm>>
          tpu.enqueue_dma source(%dma_start3A_733 : memref<2x200xi32, #tpu.memory_space<hbm>>) target(%dma_start3A_731 : memref<2x200xi32, #tpu.memory_space<vmem>>) target_semaphore(%run_scoped3A_721 : memref<!tpu.dma_semaphore, #tpu.memory_space<semaphore_mem>>)
          %dma_wait3A_734 = arith.constant 0 : i32
          %dma_wait3A_735 = arith.constant 0 : i32
          %dma_wait3A_736 = tpu.memref_slice %arg7[%run_scoped3A_664, %dma_wait3A_734, %dma_wait3A_735] : memref<2x2x200xi32, #tpu.memory_space<vmem>> -> memref<1x2x200xi32, #tpu.memory_space<vmem>>
          %dma_wait3A_737 = tpu.memref_squeeze %dma_wait3A_736 : memref<1x2x200xi32, #tpu.memory_space<vmem>> -> memref<2x200xi32, #tpu.memory_space<vmem>>
          %dma_wait3A_738 = arith.constant 0 : i32
          %dma_wait3A_739 = tpu.memref_slice %arg2[%add3A_663, %dma_wait3A_738] : memref<4096x200xi32, #tpu.memory_space<hbm>> -> memref<2x200xi32, #tpu.memory_space<hbm>>
          %dma_wait3A_740 = arith.constant 0 : i32
          %dma_wait3A_741 = arith.constant 0 : i32
          %dma_wait3A_742 = tpu.memref_slice %arg7[%run_scoped3A_664, %dma_wait3A_740, %dma_wait3A_741] : memref<2x2x200xi32, #tpu.memory_space<vmem>> -> memref<1x2x200xi32, #tpu.memory_space<vmem>>
          %dma_wait3A_743 = tpu.memref_squeeze %dma_wait3A_742 : memref<1x2x200xi32, #tpu.memory_space<vmem>> -> memref<2x200xi32, #tpu.memory_space<vmem>>
          %dma_wait3A_744 = arith.constant 0 : i32
          %dma_wait3A_745 = tpu.memref_slice %arg2[%add3A_663, %dma_wait3A_744] : memref<4096x200xi32, #tpu.memory_space<hbm>> -> memref<2x200xi32, #tpu.memory_space<hbm>>
          tpu.wait_dma2 semaphore(%run_scoped3A_721 : memref<!tpu.dma_semaphore, #tpu.memory_space<semaphore_mem>>) src(%dma_wait3A_745 : memref<2x200xi32, #tpu.memory_space<hbm>>) dst(%dma_wait3A_743 : memref<2x200xi32, #tpu.memory_space<vmem>>)
          tpu.yield
        }) : () -> ()
        %dma_start3A_665 = arith.constant 0 : i32
        %dma_start3A_666 = arith.constant 0 : i32
        %dma_start3A_667 = arith.constant 0 : i32
        %dma_start3A_668 = arith.constant 0 : i32
        %dma_start3A_669 = arith.constant 1 : i32
        %dma_start3A_670 = arith.constant 0 : i32
        %dma_start3A_671 = tpu.memref_slice %arg8[%dma_start3A_667, %dma_start3A_668, %dma_start3A_669, %dma_start3A_670] : memref<2x2x201x64xf32, #tpu.memory_space<vmem>> -> memref<1x1x104x64xf32, #tpu.memory_space<vmem>>
        %dma_start3A_672 = tpu.memref_squeeze %dma_start3A_671 : memref<1x1x104x64xf32, #tpu.memory_space<vmem>> -> memref<104x64xf32, #tpu.memory_space<vmem>>
        %dma_start3A_673 = arith.constant 0 : i32
        %dma_start3A_674 = tpu.memref_slice %arg7[%dma_start3A_665, %dma_start3A_666, %dma_start3A_673] : memref<2x2x200xi32, #tpu.memory_space<vmem>> -> memref<1x1x104xi32, #tpu.memory_space<vmem>>
        %dma_start3A_675 = tpu.memref_squeeze %dma_start3A_674 : memref<1x1x104xi32, #tpu.memory_space<vmem>> -> memref<104xi32, #tpu.memory_space<vmem>>
        %dma_start3A_676 = arith.constant 0 : i32
        %dma_start3A_677 = arith.constant 0 : i32
        %dma_start3A_678 = tpu.memref_slice %arg4[%dma_start3A_676, %dma_start3A_677] : memref<1000000x64xf32, #tpu.memory_space<hbm>> -> memref<1000000x64xf32, #tpu.memory_space<hbm>>
        tpu.enqueue_indirect_dma source(%dma_start3A_678 : memref<1000000x64xf32, #tpu.memory_space<hbm>>) target(%dma_start3A_672 : memref<104x64xf32, #tpu.memory_space<vmem>>) offsets(%dma_start3A_675 : memref<104xi32, #tpu.memory_space<vmem>>) semaphore(%arg12 : memref<!tpu.dma_semaphore, #tpu.memory_space<semaphore_mem>>)
        %dma_start3A_679 = arith.constant 0 : i32
        %dma_start3A_680 = arith.constant 0 : i32
        %dma_start3A_681 = arith.constant 0 : i32
        %dma_start3A_682 = arith.constant 0 : i32
        %dma_start3A_683 = arith.constant 105 : i32
        %dma_start3A_684 = arith.constant 0 : i32
        %dma_start3A_685 = tpu.memref_slice %arg8[%dma_start3A_681, %dma_start3A_682, %dma_start3A_683, %dma_start3A_684] : memref<2x2x201x64xf32, #tpu.memory_space<vmem>> -> memref<1x1x96x64xf32, #tpu.memory_space<vmem>>
        %dma_start3A_686 = tpu.memref_squeeze %dma_start3A_685 : memref<1x1x96x64xf32, #tpu.memory_space<vmem>> -> memref<96x64xf32, #tpu.memory_space<vmem>>
        %dma_start3A_687 = arith.constant 104 : i32
        %dma_start3A_688 = tpu.memref_slice %arg7[%dma_start3A_679, %dma_start3A_680, %dma_start3A_687] : memref<2x2x200xi32, #tpu.memory_space<vmem>> -> memref<1x1x96xi32, #tpu.memory_space<vmem>>
        %dma_start3A_689 = tpu.memref_squeeze %dma_start3A_688 : memref<1x1x96xi32, #tpu.memory_space<vmem>> -> memref<96xi32, #tpu.memory_space<vmem>>
        %dma_start3A_690 = arith.constant 0 : i32
        %dma_start3A_691 = arith.constant 0 : i32
        %dma_start3A_692 = tpu.memref_slice %arg4[%dma_start3A_690, %dma_start3A_691] : memref<1000000x64xf32, #tpu.memory_space<hbm>> -> memref<1000000x64xf32, #tpu.memory_space<hbm>>
        tpu.enqueue_indirect_dma source(%dma_start3A_692 : memref<1000000x64xf32, #tpu.memory_space<hbm>>) target(%dma_start3A_686 : memref<96x64xf32, #tpu.memory_space<vmem>>) offsets(%dma_start3A_689 : memref<96xi32, #tpu.memory_space<vmem>>) semaphore(%arg12 : memref<!tpu.dma_semaphore, #tpu.memory_space<semaphore_mem>>)
        %dma_start3A_693 = arith.constant 0 : i32
        %dma_start3A_694 = arith.constant 1 : i32
        %dma_start3A_695 = arith.constant 0 : i32
        %dma_start3A_696 = arith.constant 1 : i32
        %dma_start3A_697 = arith.constant 1 : i32
        %dma_start3A_698 = arith.constant 0 : i32
        %dma_start3A_699 = tpu.memref_slice %arg8[%dma_start3A_695, %dma_start3A_696, %dma_start3A_697, %dma_start3A_698] : memref<2x2x201x64xf32, #tpu.memory_space<vmem>> -> memref<1x1x104x64xf32, #tpu.memory_space<vmem>>
        %dma_start3A_700 = tpu.memref_squeeze %dma_start3A_699 : memref<1x1x104x64xf32, #tpu.memory_space<vmem>> -> memref<104x64xf32, #tpu.memory_space<vmem>>
        %dma_start3A_701 = arith.constant 0 : i32
        %dma_start3A_702 = tpu.memref_slice %arg7[%dma_start3A_693, %dma_start3A_694, %dma_start3A_701] : memref<2x2x200xi32, #tpu.memory_space<vmem>> -> memref<1x1x104xi32, #tpu.memory_space<vmem>>
        %dma_start3A_703 = tpu.memref_squeeze %dma_start3A_702 : memref<1x1x104xi32, #tpu.memory_space<vmem>> -> memref<104xi32, #tpu.memory_space<vmem>>
        %dma_start3A_704 = arith.constant 0 : i32
        %dma_start3A_705 = arith.constant 0 : i32
        %dma_start3A_706 = tpu.memref_slice %arg4[%dma_start3A_704, %dma_start3A_705] : memref<1000000x64xf32, #tpu.memory_space<hbm>> -> memref<1000000x64xf32, #tpu.memory_space<hbm>>
        tpu.enqueue_indirect_dma source(%dma_start3A_706 : memref<1000000x64xf32, #tpu.memory_space<hbm>>) target(%dma_start3A_700 : memref<104x64xf32, #tpu.memory_space<vmem>>) offsets(%dma_start3A_703 : memref<104xi32, #tpu.memory_space<vmem>>) semaphore(%arg12 : memref<!tpu.dma_semaphore, #tpu.memory_space<semaphore_mem>>)
        %dma_start3A_707 = arith.constant 0 : i32
        %dma_start3A_708 = arith.constant 1 : i32
        %dma_start3A_709 = arith.constant 0 : i32
        %dma_start3A_710 = arith.constant 1 : i32
        %dma_start3A_711 = arith.constant 105 : i32
        %dma_start3A_712 = arith.constant 0 : i32
        %dma_start3A_713 = tpu.memref_slice %arg8[%dma_start3A_709, %dma_start3A_710, %dma_start3A_711, %dma_start3A_712] : memref<2x2x201x64xf32, #tpu.memory_space<vmem>> -> memref<1x1x96x64xf32, #tpu.memory_space<vmem>>
        %dma_start3A_714 = tpu.memref_squeeze %dma_start3A_713 : memref<1x1x96x64xf32, #tpu.memory_space<vmem>> -> memref<96x64xf32, #tpu.memory_space<vmem>>
        %dma_start3A_715 = arith.constant 104 : i32
        %dma_start3A_716 = tpu.memref_slice %arg7[%dma_start3A_707, %dma_start3A_708, %dma_start3A_715] : memref<2x2x200xi32, #tpu.memory_space<vmem>> -> memref<1x1x96xi32, #tpu.memory_space<vmem>>
        %dma_start3A_717 = tpu.memref_squeeze %dma_start3A_716 : memref<1x1x96xi32, #tpu.memory_space<vmem>> -> memref<96xi32, #tpu.memory_space<vmem>>
        %dma_start3A_718 = arith.constant 0 : i32
        %dma_start3A_719 = arith.constant 0 : i32
        %dma_start3A_720 = tpu.memref_slice %arg4[%dma_start3A_718, %dma_start3A_719] : memref<1000000x64xf32, #tpu.memory_space<hbm>> -> memref<1000000x64xf32, #tpu.memory_space<hbm>>
        tpu.enqueue_indirect_dma source(%dma_start3A_720 : memref<1000000x64xf32, #tpu.memory_space<hbm>>) target(%dma_start3A_714 : memref<96x64xf32, #tpu.memory_space<vmem>>) offsets(%dma_start3A_717 : memref<96xi32, #tpu.memory_space<vmem>>) semaphore(%arg12 : memref<!tpu.dma_semaphore, #tpu.memory_space<semaphore_mem>>)
      } else {
      }
      %dma_wait3A_409 = arith.constant 1 : i32
      %dma_wait3A_410 = arith.constant 0 : i32
      %dma_wait3A_411 = arith.constant 1 : i32
      %dma_wait3A_412 = arith.constant 0 : i32
      %dma_wait3A_413 = arith.constant 1 : i32
      %dma_wait3A_414 = arith.constant 0 : i32
      %dma_wait3A_415 = tpu.memref_slice %arg8[%dma_wait3A_411, %dma_wait3A_412, %dma_wait3A_413, %dma_wait3A_414] : memref<2x2x201x64xf32, #tpu.memory_space<vmem>> -> memref<1x1x104x64xf32, #tpu.memory_space<vmem>>
      %dma_wait3A_416 = tpu.memref_squeeze %dma_wait3A_415 : memref<1x1x104x64xf32, #tpu.memory_space<vmem>> -> memref<104x64xf32, #tpu.memory_space<vmem>>
      %dma_wait3A_417 = arith.constant 0 : i32
      %dma_wait3A_418 = tpu.memref_slice %arg7[%dma_wait3A_409, %dma_wait3A_410, %dma_wait3A_417] : memref<2x2x200xi32, #tpu.memory_space<vmem>> -> memref<1x1x104xi32, #tpu.memory_space<vmem>>
      %dma_wait3A_419 = tpu.memref_squeeze %dma_wait3A_418 : memref<1x1x104xi32, #tpu.memory_space<vmem>> -> memref<104xi32, #tpu.memory_space<vmem>>
      %dma_wait3A_420 = arith.constant 0 : i32
      %dma_wait3A_421 = arith.constant 0 : i32
      %dma_wait3A_422 = tpu.memref_slice %arg4[%dma_wait3A_420, %dma_wait3A_421] : memref<1000000x64xf32, #tpu.memory_space<hbm>> -> memref<1000000x64xf32, #tpu.memory_space<hbm>>
      tpu.wait_indirect_dma semaphore(%arg13 : memref<!tpu.dma_semaphore, #tpu.memory_space<semaphore_mem>>) src(%dma_wait3A_422 : memref<1000000x64xf32, #tpu.memory_space<hbm>>) dst(%dma_wait3A_416 : memref<104x64xf32, #tpu.memory_space<vmem>>)
      %dma_wait3A_423 = arith.constant 1 : i32
      %dma_wait3A_424 = arith.constant 0 : i32
      %dma_wait3A_425 = arith.constant 1 : i32
      %dma_wait3A_426 = arith.constant 0 : i32
      %dma_wait3A_427 = arith.constant 105 : i32
      %dma_wait3A_428 = arith.constant 0 : i32
      %dma_wait3A_429 = tpu.memref_slice %arg8[%dma_wait3A_425, %dma_wait3A_426, %dma_wait3A_427, %dma_wait3A_428] : memref<2x2x201x64xf32, #tpu.memory_space<vmem>> -> memref<1x1x96x64xf32, #tpu.memory_space<vmem>>
      %dma_wait3A_430 = tpu.memref_squeeze %dma_wait3A_429 : memref<1x1x96x64xf32, #tpu.memory_space<vmem>> -> memref<96x64xf32, #tpu.memory_space<vmem>>
      %dma_wait3A_431 = arith.constant 104 : i32
      %dma_wait3A_432 = tpu.memref_slice %arg7[%dma_wait3A_423, %dma_wait3A_424, %dma_wait3A_431] : memref<2x2x200xi32, #tpu.memory_space<vmem>> -> memref<1x1x96xi32, #tpu.memory_space<vmem>>
      %dma_wait3A_433 = tpu.memref_squeeze %dma_wait3A_432 : memref<1x1x96xi32, #tpu.memory_space<vmem>> -> memref<96xi32, #tpu.memory_space<vmem>>
      %dma_wait3A_434 = arith.constant 0 : i32
      %dma_wait3A_435 = arith.constant 0 : i32
      %dma_wait3A_436 = tpu.memref_slice %arg4[%dma_wait3A_434, %dma_wait3A_435] : memref<1000000x64xf32, #tpu.memory_space<hbm>> -> memref<1000000x64xf32, #tpu.memory_space<hbm>>
      tpu.wait_indirect_dma semaphore(%arg13 : memref<!tpu.dma_semaphore, #tpu.memory_space<semaphore_mem>>) src(%dma_wait3A_436 : memref<1000000x64xf32, #tpu.memory_space<hbm>>) dst(%dma_wait3A_430 : memref<96x64xf32, #tpu.memory_space<vmem>>)
      %dma_wait3A_437 = arith.constant 1 : i32
      %dma_wait3A_438 = arith.constant 1 : i32
      %dma_wait3A_439 = arith.constant 1 : i32
      %dma_wait3A_440 = arith.constant 1 : i32
      %dma_wait3A_441 = arith.constant 1 : i32
      %dma_wait3A_442 = arith.constant 0 : i32
      %dma_wait3A_443 = tpu.memref_slice %arg8[%dma_wait3A_439, %dma_wait3A_440, %dma_wait3A_441, %dma_wait3A_442] : memref<2x2x201x64xf32, #tpu.memory_space<vmem>> -> memref<1x1x104x64xf32, #tpu.memory_space<vmem>>
      %dma_wait3A_444 = tpu.memref_squeeze %dma_wait3A_443 : memref<1x1x104x64xf32, #tpu.memory_space<vmem>> -> memref<104x64xf32, #tpu.memory_space<vmem>>
      %dma_wait3A_445 = arith.constant 0 : i32
      %dma_wait3A_446 = tpu.memref_slice %arg7[%dma_wait3A_437, %dma_wait3A_438, %dma_wait3A_445] : memref<2x2x200xi32, #tpu.memory_space<vmem>> -> memref<1x1x104xi32, #tpu.memory_space<vmem>>
      %dma_wait3A_447 = tpu.memref_squeeze %dma_wait3A_446 : memref<1x1x104xi32, #tpu.memory_space<vmem>> -> memref<104xi32, #tpu.memory_space<vmem>>
      %dma_wait3A_448 = arith.constant 0 : i32
      %dma_wait3A_449 = arith.constant 0 : i32
      %dma_wait3A_450 = tpu.memref_slice %arg4[%dma_wait3A_448, %dma_wait3A_449] : memref<1000000x64xf32, #tpu.memory_space<hbm>> -> memref<1000000x64xf32, #tpu.memory_space<hbm>>
      tpu.wait_indirect_dma semaphore(%arg13 : memref<!tpu.dma_semaphore, #tpu.memory_space<semaphore_mem>>) src(%dma_wait3A_450 : memref<1000000x64xf32, #tpu.memory_space<hbm>>) dst(%dma_wait3A_444 : memref<104x64xf32, #tpu.memory_space<vmem>>)
      %dma_wait3A_451 = arith.constant 1 : i32
      %dma_wait3A_452 = arith.constant 1 : i32
      %dma_wait3A_453 = arith.constant 1 : i32
      %dma_wait3A_454 = arith.constant 1 : i32
      %dma_wait3A_455 = arith.constant 105 : i32
      %dma_wait3A_456 = arith.constant 0 : i32
      %dma_wait3A_457 = tpu.memref_slice %arg8[%dma_wait3A_453, %dma_wait3A_454, %dma_wait3A_455, %dma_wait3A_456] : memref<2x2x201x64xf32, #tpu.memory_space<vmem>> -> memref<1x1x96x64xf32, #tpu.memory_space<vmem>>
      %dma_wait3A_458 = tpu.memref_squeeze %dma_wait3A_457 : memref<1x1x96x64xf32, #tpu.memory_space<vmem>> -> memref<96x64xf32, #tpu.memory_space<vmem>>
      %dma_wait3A_459 = arith.constant 104 : i32
      %dma_wait3A_460 = tpu.memref_slice %arg7[%dma_wait3A_451, %dma_wait3A_452, %dma_wait3A_459] : memref<2x2x200xi32, #tpu.memory_space<vmem>> -> memref<1x1x96xi32, #tpu.memory_space<vmem>>
      %dma_wait3A_461 = tpu.memref_squeeze %dma_wait3A_460 : memref<1x1x96xi32, #tpu.memory_space<vmem>> -> memref<96xi32, #tpu.memory_space<vmem>>
      %dma_wait3A_462 = arith.constant 0 : i32
      %dma_wait3A_463 = arith.constant 0 : i32
      %dma_wait3A_464 = tpu.memref_slice %arg4[%dma_wait3A_462, %dma_wait3A_463] : memref<1000000x64xf32, #tpu.memory_space<hbm>> -> memref<1000000x64xf32, #tpu.memory_space<hbm>>
      tpu.wait_indirect_dma semaphore(%arg13 : memref<!tpu.dma_semaphore, #tpu.memory_space<semaphore_mem>>) src(%dma_wait3A_464 : memref<1000000x64xf32, #tpu.memory_space<hbm>>) dst(%dma_wait3A_458 : memref<96x64xf32, #tpu.memory_space<vmem>>)
      %mul3A_465 = arith.constant 2 : i32
      %mul3A_466 = arith.muli %add3A_401, %mul3A_465 : i32
      %add3A_467 = arith.constant 0 : i32
      %add3A_468 = arith.addi %mul3A_466, %add3A_467 : i32
      %get3A_469 = arith.index_cast %add3A_468 : i32 to index
      %get3A_470 = arith.constant 0 : index
      %get3A_471 = tpu.vector_load %arg10[%get3A_469, %get3A_470] {strides = array<i32>} : memref<128x64xf32, #tpu.memory_space<vmem>>, vector<1x16xf32>,
      %get3A_472 = vector.shape_cast %get3A_471 : vector<1x16xf32> to vector<16xf32>
      %swap3A_473 = arith.constant 1 : i32
      %swap3A_474 = arith.constant 0 : i32
      %swap3A_475 = arith.constant 0 : i32
      %swap3A_476 = arith.index_cast %swap3A_473 : i32 to index
      %swap3A_477 = arith.index_cast %swap3A_474 : i32 to index
      %swap3A_478 = arith.index_cast %swap3A_475 : i32 to index
      %swap3A_479 = arith.constant 0 : index
      %swap3A_480 = tpu.vector_load %arg8[%swap3A_476, %swap3A_477, %swap3A_478, %swap3A_479] {strides = array<i32>} : memref<2x2x201x64xf32, #tpu.memory_space<vmem>>, vector<1x1x1x16xf32>,
      %swap3A_481 = vector.shape_cast %swap3A_480 : vector<1x1x1x16xf32> to vector<16xf32>
      %swap3A_482 = vector.shape_cast %get3A_472 : vector<16xf32> to vector<1x1x1x16xf32>
      tpu.vector_store %arg8[%swap3A_476, %swap3A_477, %swap3A_478, %swap3A_479], %swap3A_482 {strides = array<i32>} : memref<2x2x201x64xf32, #tpu.memory_space<vmem>>, vector<1x1x1x16xf32>,
      %mul3A_483 = arith.constant 2 : i32
      %mul3A_484 = arith.muli %add3A_401, %mul3A_483 : i32
      %add3A_485 = arith.constant 0 : i32
      %add3A_486 = arith.addi %mul3A_484, %add3A_485 : i32
      %get3A_487 = arith.index_cast %add3A_486 : i32 to index
      %get3A_488 = arith.constant 16 : index
      %get3A_489 = tpu.vector_load %arg10[%get3A_487, %get3A_488] {strides = array<i32>} : memref<128x64xf32, #tpu.memory_space<vmem>>, vector<1x16xf32>,
      %get3A_490 = vector.shape_cast %get3A_489 : vector<1x16xf32> to vector<16xf32>
      %swap3A_491 = arith.constant 1 : i32
      %swap3A_492 = arith.constant 0 : i32
      %swap3A_493 = arith.constant 0 : i32
      %swap3A_494 = arith.index_cast %swap3A_491 : i32 to index
      %swap3A_495 = arith.index_cast %swap3A_492 : i32 to index
      %swap3A_496 = arith.index_cast %swap3A_493 : i32 to index
      %swap3A_497 = arith.constant 16 : index
      %swap3A_498 = tpu.vector_load %arg8[%swap3A_494, %swap3A_495, %swap3A_496, %swap3A_497] {strides = array<i32>} : memref<2x2x201x64xf32, #tpu.memory_space<vmem>>, vector<1x1x1x16xf32>,
      %swap3A_499 = vector.shape_cast %swap3A_498 : vector<1x1x1x16xf32> to vector<16xf32>
      %swap3A_500 = vector.shape_cast %get3A_490 : vector<16xf32> to vector<1x1x1x16xf32>
      tpu.vector_store %arg8[%swap3A_494, %swap3A_495, %swap3A_496, %swap3A_497], %swap3A_500 {strides = array<i32>} : memref<2x2x201x64xf32, #tpu.memory_space<vmem>>, vector<1x1x1x16xf32>,
      %mul3A_501 = arith.constant 2 : i32
      %mul3A_502 = arith.muli %add3A_401, %mul3A_501 : i32
      %add3A_503 = arith.constant 0 : i32
      %add3A_504 = arith.addi %mul3A_502, %add3A_503 : i32
      %get3A_505 = arith.index_cast %add3A_504 : i32 to index
      %get3A_506 = arith.constant 32 : index
      %get3A_507 = tpu.vector_load %arg10[%get3A_505, %get3A_506] {strides = array<i32>} : memref<128x64xf32, #tpu.memory_space<vmem>>, vector<1x16xf32>,
      %get3A_508 = vector.shape_cast %get3A_507 : vector<1x16xf32> to vector<16xf32>
      %swap3A_509 = arith.constant 1 : i32
      %swap3A_510 = arith.constant 0 : i32
      %swap3A_511 = arith.constant 0 : i32
      %swap3A_512 = arith.index_cast %swap3A_509 : i32 to index
      %swap3A_513 = arith.index_cast %swap3A_510 : i32 to index
      %swap3A_514 = arith.index_cast %swap3A_511 : i32 to index
      %swap3A_515 = arith.constant 32 : index
      %swap3A_516 = tpu.vector_load %arg8[%swap3A_512, %swap3A_513, %swap3A_514, %swap3A_515] {strides = array<i32>} : memref<2x2x201x64xf32, #tpu.memory_space<vmem>>, vector<1x1x1x16xf32>,
      %swap3A_517 = vector.shape_cast %swap3A_516 : vector<1x1x1x16xf32> to vector<16xf32>
      %swap3A_518 = vector.shape_cast %get3A_508 : vector<16xf32> to vector<1x1x1x16xf32>
      tpu.vector_store %arg8[%swap3A_512, %swap3A_513, %swap3A_514, %swap3A_515], %swap3A_518 {strides = array<i32>} : memref<2x2x201x64xf32, #tpu.memory_space<vmem>>, vector<1x1x1x16xf32>,
      %mul3A_519 = arith.constant 2 : i32
      %mul3A_520 = arith.muli %add3A_401, %mul3A_519 : i32
      %add3A_521 = arith.constant 0 : i32
      %add3A_522 = arith.addi %mul3A_520, %add3A_521 : i32
      %get3A_523 = arith.index_cast %add3A_522 : i32 to index
      %get3A_524 = arith.constant 48 : index
      %get3A_525 = tpu.vector_load %arg10[%get3A_523, %get3A_524] {strides = array<i32>} : memref<128x64xf32, #tpu.memory_space<vmem>>, vector<1x16xf32>,
      %get3A_526 = vector.shape_cast %get3A_525 : vector<1x16xf32> to vector<16xf32>
      %swap3A_527 = arith.constant 1 : i32
      %swap3A_528 = arith.constant 0 : i32
      %swap3A_529 = arith.constant 0 : i32
      %swap3A_530 = arith.index_cast %swap3A_527 : i32 to index
      %swap3A_531 = arith.index_cast %swap3A_528 : i32 to index
      %swap3A_532 = arith.index_cast %swap3A_529 : i32 to index
      %swap3A_533 = arith.constant 48 : index
      %swap3A_534 = tpu.vector_load %arg8[%swap3A_530, %swap3A_531, %swap3A_532, %swap3A_533] {strides = array<i32>} : memref<2x2x201x64xf32, #tpu.memory_space<vmem>>, vector<1x1x1x16xf32>,
      %swap3A_535 = vector.shape_cast %swap3A_534 : vector<1x1x1x16xf32> to vector<16xf32>
      %swap3A_536 = vector.shape_cast %get3A_526 : vector<16xf32> to vector<1x1x1x16xf32>
      tpu.vector_store %arg8[%swap3A_530, %swap3A_531, %swap3A_532, %swap3A_533], %swap3A_536 {strides = array<i32>} : memref<2x2x201x64xf32, #tpu.memory_space<vmem>>, vector<1x1x1x16xf32>,
      %mul3A_537 = arith.constant 2 : i32
      %mul3A_538 = arith.muli %add3A_401, %mul3A_537 : i32
      %add3A_539 = arith.addi %mul3A_2, %mul3A_538 : i32
      %add3A_540 = arith.constant 0 : i32
      %add3A_541 = arith.addi %add3A_539, %add3A_540 : i32
      %dma_start3A_542 = arith.constant 1 : i32
      %dma_start3A_543 = arith.constant 0 : i32
      %dma_start3A_544 = arith.constant 0 : i32
      %dma_start3A_545 = arith.constant 0 : i32
      %dma_start3A_546 = tpu.memref_slice %arg8[%dma_start3A_542, %dma_start3A_543, %dma_start3A_544, %dma_start3A_545] : memref<2x2x201x64xf32, #tpu.memory_space<vmem>> -> memref<1x1x201x64xf32, #tpu.memory_space<vmem>>
      %dma_start3A_547 = tpu.memref_squeeze %dma_start3A_546 : memref<1x1x201x64xf32, #tpu.memory_space<vmem>> -> memref<201x64xf32, #tpu.memory_space<vmem>>
      %dma_start3A_548 = arith.constant 0 : i32
      %dma_start3A_549 = arith.constant 0 : i32
      %dma_start3A_550 = tpu.memref_slice %arg6[%add3A_541, %dma_start3A_548, %dma_start3A_549] : memref<4096x201x64xf32, #tpu.memory_space<hbm>> -> memref<1x201x64xf32, #tpu.memory_space<hbm>>
      %dma_start3A_551 = tpu.memref_squeeze %dma_start3A_550 : memref<1x201x64xf32, #tpu.memory_space<hbm>> -> memref<201x64xf32, #tpu.memory_space<hbm>>
      %dma_start3A_552 = arith.constant 0 : i32
      %dma_start3A_553 = arith.constant 0 : i32
      %dma_start3A_554 = tpu.memref_slice %arg6[%add3A_541, %dma_start3A_552, %dma_start3A_553] : memref<4096x201x64xf32, #tpu.memory_space<hbm>> -> memref<1x201x64xf32, #tpu.memory_space<hbm>>
      %dma_start3A_555 = tpu.memref_squeeze %dma_start3A_554 : memref<1x201x64xf32, #tpu.memory_space<hbm>> -> memref<201x64xf32, #tpu.memory_space<hbm>>
      %dma_start3A_556 = arith.constant 0 : i32
      %dma_start3A_557 = arith.constant 0 : i32
      %dma_start3A_558 = tpu.memref_slice %arg8[%dma_start3A_542, %dma_start3A_543, %dma_start3A_556, %dma_start3A_557] : memref<2x2x201x64xf32, #tpu.memory_space<vmem>> -> memref<1x1x201x64xf32, #tpu.memory_space<vmem>>
      %dma_start3A_559 = tpu.memref_squeeze %dma_start3A_558 : memref<1x1x201x64xf32, #tpu.memory_space<vmem>> -> memref<201x64xf32, #tpu.memory_space<vmem>>
      tpu.enqueue_dma source(%dma_start3A_559 : memref<201x64xf32, #tpu.memory_space<vmem>>) target(%dma_start3A_555 : memref<201x64xf32, #tpu.memory_space<hbm>>) target_semaphore(%arg15 : memref<!tpu.dma_semaphore, #tpu.memory_space<semaphore_mem>>)
      %mul3A_560 = arith.constant 2 : i32
      %mul3A_561 = arith.muli %add3A_401, %mul3A_560 : i32
      %add3A_562 = arith.constant 1 : i32
      %add3A_563 = arith.addi %mul3A_561, %add3A_562 : i32
      %get3A_564 = arith.index_cast %add3A_563 : i32 to index
      %get3A_565 = arith.constant 0 : index
      %get3A_566 = tpu.vector_load %arg10[%get3A_564, %get3A_565] {strides = array<i32>} : memref<128x64xf32, #tpu.memory_space<vmem>>, vector<1x16xf32>,
      %get3A_567 = vector.shape_cast %get3A_566 : vector<1x16xf32> to vector<16xf32>
      %swap3A_568 = arith.constant 1 : i32
      %swap3A_569 = arith.constant 1 : i32
      %swap3A_570 = arith.constant 0 : i32
      %swap3A_571 = arith.index_cast %swap3A_568 : i32 to index
      %swap3A_572 = arith.index_cast %swap3A_569 : i32 to index
      %swap3A_573 = arith.index_cast %swap3A_570 : i32 to index
      %swap3A_574 = arith.constant 0 : index
      %swap3A_575 = tpu.vector_load %arg8[%swap3A_571, %swap3A_572, %swap3A_573, %swap3A_574] {strides = array<i32>} : memref<2x2x201x64xf32, #tpu.memory_space<vmem>>, vector<1x1x1x16xf32>,
      %swap3A_576 = vector.shape_cast %swap3A_575 : vector<1x1x1x16xf32> to vector<16xf32>
      %swap3A_577 = vector.shape_cast %get3A_567 : vector<16xf32> to vector<1x1x1x16xf32>
      tpu.vector_store %arg8[%swap3A_571, %swap3A_572, %swap3A_573, %swap3A_574], %swap3A_577 {strides = array<i32>} : memref<2x2x201x64xf32, #tpu.memory_space<vmem>>, vector<1x1x1x16xf32>,
      %mul3A_578 = arith.constant 2 : i32
      %mul3A_579 = arith.muli %add3A_401, %mul3A_578 : i32
      %add3A_580 = arith.constant 1 : i32
      %add3A_581 = arith.addi %mul3A_579, %add3A_580 : i32
      %get3A_582 = arith.index_cast %add3A_581 : i32 to index
      %get3A_583 = arith.constant 16 : index
      %get3A_584 = tpu.vector_load %arg10[%get3A_582, %get3A_583] {strides = array<i32>} : memref<128x64xf32, #tpu.memory_space<vmem>>, vector<1x16xf32>,
      %get3A_585 = vector.shape_cast %get3A_584 : vector<1x16xf32> to vector<16xf32>
      %swap3A_586 = arith.constant 1 : i32
      %swap3A_587 = arith.constant 1 : i32
      %swap3A_588 = arith.constant 0 : i32
      %swap3A_589 = arith.index_cast %swap3A_586 : i32 to index
      %swap3A_590 = arith.index_cast %swap3A_587 : i32 to index
      %swap3A_591 = arith.index_cast %swap3A_588 : i32 to index
      %swap3A_592 = arith.constant 16 : index
      %swap3A_593 = tpu.vector_load %arg8[%swap3A_589, %swap3A_590, %swap3A_591, %swap3A_592] {strides = array<i32>} : memref<2x2x201x64xf32, #tpu.memory_space<vmem>>, vector<1x1x1x16xf32>,
      %swap3A_594 = vector.shape_cast %swap3A_593 : vector<1x1x1x16xf32> to vector<16xf32>
      %swap3A_595 = vector.shape_cast %get3A_585 : vector<16xf32> to vector<1x1x1x16xf32>
      tpu.vector_store %arg8[%swap3A_589, %swap3A_590, %swap3A_591, %swap3A_592], %swap3A_595 {strides = array<i32>} : memref<2x2x201x64xf32, #tpu.memory_space<vmem>>, vector<1x1x1x16xf32>,
      %mul3A_596 = arith.constant 2 : i32
      %mul3A_597 = arith.muli %add3A_401, %mul3A_596 : i32
      %add3A_598 = arith.constant 1 : i32
      %add3A_599 = arith.addi %mul3A_597, %add3A_598 : i32
      %get3A_600 = arith.index_cast %add3A_599 : i32 to index
      %get3A_601 = arith.constant 32 : index
      %get3A_602 = tpu.vector_load %arg10[%get3A_600, %get3A_601] {strides = array<i32>} : memref<128x64xf32, #tpu.memory_space<vmem>>, vector<1x16xf32>,
      %get3A_603 = vector.shape_cast %get3A_602 : vector<1x16xf32> to vector<16xf32>
      %swap3A_604 = arith.constant 1 : i32
      %swap3A_605 = arith.constant 1 : i32
      %swap3A_606 = arith.constant 0 : i32
      %swap3A_607 = arith.index_cast %swap3A_604 : i32 to index
      %swap3A_608 = arith.index_cast %swap3A_605 : i32 to index
      %swap3A_609 = arith.index_cast %swap3A_606 : i32 to index
      %swap3A_610 = arith.constant 32 : index
      %swap3A_611 = tpu.vector_load %arg8[%swap3A_607, %swap3A_608, %swap3A_609, %swap3A_610] {strides = array<i32>} : memref<2x2x201x64xf32, #tpu.memory_space<vmem>>, vector<1x1x1x16xf32>,
      %swap3A_612 = vector.shape_cast %swap3A_611 : vector<1x1x1x16xf32> to vector<16xf32>
      %swap3A_613 = vector.shape_cast %get3A_603 : vector<16xf32> to vector<1x1x1x16xf32>
      tpu.vector_store %arg8[%swap3A_607, %swap3A_608, %swap3A_609, %swap3A_610], %swap3A_613 {strides = array<i32>} : memref<2x2x201x64xf32, #tpu.memory_space<vmem>>, vector<1x1x1x16xf32>,
      %mul3A_614 = arith.constant 2 : i32
      %mul3A_615 = arith.muli %add3A_401, %mul3A_614 : i32
      %add3A_616 = arith.constant 1 : i32
      %add3A_617 = arith.addi %mul3A_615, %add3A_616 : i32
      %get3A_618 = arith.index_cast %add3A_617 : i32 to index
      %get3A_619 = arith.constant 48 : index
      %get3A_620 = tpu.vector_load %arg10[%get3A_618, %get3A_619] {strides = array<i32>} : memref<128x64xf32, #tpu.memory_space<vmem>>, vector<1x16xf32>,
      %get3A_621 = vector.shape_cast %get3A_620 : vector<1x16xf32> to vector<16xf32>
      %swap3A_622 = arith.constant 1 : i32
      %swap3A_623 = arith.constant 1 : i32
      %swap3A_624 = arith.constant 0 : i32
      %swap3A_625 = arith.index_cast %swap3A_622 : i32 to index
      %swap3A_626 = arith.index_cast %swap3A_623 : i32 to index
      %swap3A_627 = arith.index_cast %swap3A_624 : i32 to index
      %swap3A_628 = arith.constant 48 : index
      %swap3A_629 = tpu.vector_load %arg8[%swap3A_625, %swap3A_626, %swap3A_627, %swap3A_628] {strides = array<i32>} : memref<2x2x201x64xf32, #tpu.memory_space<vmem>>, vector<1x1x1x16xf32>,
      %swap3A_630 = vector.shape_cast %swap3A_629 : vector<1x1x1x16xf32> to vector<16xf32>
      %swap3A_631 = vector.shape_cast %get3A_621 : vector<16xf32> to vector<1x1x1x16xf32>
      tpu.vector_store %arg8[%swap3A_625, %swap3A_626, %swap3A_627, %swap3A_628], %swap3A_631 {strides = array<i32>} : memref<2x2x201x64xf32, #tpu.memory_space<vmem>>, vector<1x1x1x16xf32>,
      %mul3A_632 = arith.constant 2 : i32
      %mul3A_633 = arith.muli %add3A_401, %mul3A_632 : i32
      %add3A_634 = arith.addi %mul3A_2, %mul3A_633 : i32
      %add3A_635 = arith.constant 1 : i32
      %add3A_636 = arith.addi %add3A_634, %add3A_635 : i32
      %dma_start3A_637 = arith.constant 1 : i32
      %dma_start3A_638 = arith.constant 1 : i32
      %dma_start3A_639 = arith.constant 0 : i32
      %dma_start3A_640 = arith.constant 0 : i32
      %dma_start3A_641 = tpu.memref_slice %arg8[%dma_start3A_637, %dma_start3A_638, %dma_start3A_639, %dma_start3A_640] : memref<2x2x201x64xf32, #tpu.memory_space<vmem>> -> memref<1x1x201x64xf32, #tpu.memory_space<vmem>>
      %dma_start3A_642 = tpu.memref_squeeze %dma_start3A_641 : memref<1x1x201x64xf32, #tpu.memory_space<vmem>> -> memref<201x64xf32, #tpu.memory_space<vmem>>
      %dma_start3A_643 = arith.constant 0 : i32
      %dma_start3A_644 = arith.constant 0 : i32
      %dma_start3A_645 = tpu.memref_slice %arg6[%add3A_636, %dma_start3A_643, %dma_start3A_644] : memref<4096x201x64xf32, #tpu.memory_space<hbm>> -> memref<1x201x64xf32, #tpu.memory_space<hbm>>
      %dma_start3A_646 = tpu.memref_squeeze %dma_start3A_645 : memref<1x201x64xf32, #tpu.memory_space<hbm>> -> memref<201x64xf32, #tpu.memory_space<hbm>>
      %dma_start3A_647 = arith.constant 0 : i32
      %dma_start3A_648 = arith.constant 0 : i32
      %dma_start3A_649 = tpu.memref_slice %arg6[%add3A_636, %dma_start3A_647, %dma_start3A_648] : memref<4096x201x64xf32, #tpu.memory_space<hbm>> -> memref<1x201x64xf32, #tpu.memory_space<hbm>>
      %dma_start3A_650 = tpu.memref_squeeze %dma_start3A_649 : memref<1x201x64xf32, #tpu.memory_space<hbm>> -> memref<201x64xf32, #tpu.memory_space<hbm>>
      %dma_start3A_651 = arith.constant 0 : i32
      %dma_start3A_652 = arith.constant 0 : i32
      %dma_start3A_653 = tpu.memref_slice %arg8[%dma_start3A_637, %dma_start3A_638, %dma_start3A_651, %dma_start3A_652] : memref<2x2x201x64xf32, #tpu.memory_space<vmem>> -> memref<1x1x201x64xf32, #tpu.memory_space<vmem>>
      %dma_start3A_654 = tpu.memref_squeeze %dma_start3A_653 : memref<1x1x201x64xf32, #tpu.memory_space<vmem>> -> memref<201x64xf32, #tpu.memory_space<vmem>>
      tpu.enqueue_dma source(%dma_start3A_654 : memref<201x64xf32, #tpu.memory_space<vmem>>) target(%dma_start3A_650 : memref<201x64xf32, #tpu.memory_space<hbm>>) target_semaphore(%arg15 : memref<!tpu.dma_semaphore, #tpu.memory_space<semaphore_mem>>)
    }
    %scan3A_68 = arith.constant 32 : i32
    %dma_wait3A_69 = arith.constant 0 : i32
    %dma_wait3A_70 = arith.constant 0 : i32
    %dma_wait3A_71 = arith.constant 0 : i32
    %dma_wait3A_72 = arith.constant 0 : i32
    %dma_wait3A_73 = arith.constant 0 : i32
    %dma_wait3A_74 = tpu.memref_slice %arg8[%dma_wait3A_69, %dma_wait3A_70, %dma_wait3A_72, %dma_wait3A_73] : memref<2x2x201x64xf32, #tpu.memory_space<vmem>> -> memref<1x1x201x64xf32, #tpu.memory_space<vmem>>
    %dma_wait3A_75 = tpu.memref_squeeze %dma_wait3A_74 : memref<1x1x201x64xf32, #tpu.memory_space<vmem>> -> memref<201x64xf32, #tpu.memory_space<vmem>>
    %dma_wait3A_76 = arith.constant 0 : i32
    %dma_wait3A_77 = arith.constant 0 : i32
    %dma_wait3A_78 = tpu.memref_slice %arg6[%dma_wait3A_71, %dma_wait3A_76, %dma_wait3A_77] : memref<4096x201x64xf32, #tpu.memory_space<hbm>> -> memref<1x201x64xf32, #tpu.memory_space<hbm>>
    %dma_wait3A_79 = tpu.memref_squeeze %dma_wait3A_78 : memref<1x201x64xf32, #tpu.memory_space<hbm>> -> memref<201x64xf32, #tpu.memory_space<hbm>>
    %dma_wait3A_80 = arith.constant 0 : i32
    %dma_wait3A_81 = arith.constant 0 : i32
    %dma_wait3A_82 = tpu.memref_slice %arg6[%dma_wait3A_71, %dma_wait3A_80, %dma_wait3A_81] : memref<4096x201x64xf32, #tpu.memory_space<hbm>> -> memref<1x201x64xf32, #tpu.memory_space<hbm>>
    %dma_wait3A_83 = tpu.memref_squeeze %dma_wait3A_82 : memref<1x201x64xf32, #tpu.memory_space<hbm>> -> memref<201x64xf32, #tpu.memory_space<hbm>>
    %dma_wait3A_84 = arith.constant 0 : i32
    %dma_wait3A_85 = arith.constant 0 : i32
    %dma_wait3A_86 = tpu.memref_slice %arg8[%dma_wait3A_69, %dma_wait3A_70, %dma_wait3A_84, %dma_wait3A_85] : memref<2x2x201x64xf32, #tpu.memory_space<vmem>> -> memref<1x1x201x64xf32, #tpu.memory_space<vmem>>
    %dma_wait3A_87 = tpu.memref_squeeze %dma_wait3A_86 : memref<1x1x201x64xf32, #tpu.memory_space<vmem>> -> memref<201x64xf32, #tpu.memory_space<vmem>>
    tpu.wait_dma2 semaphore(%arg14 : memref<!tpu.dma_semaphore, #tpu.memory_space<semaphore_mem>>) src(%dma_wait3A_87 : memref<201x64xf32, #tpu.memory_space<vmem>>) dst(%dma_wait3A_83 : memref<201x64xf32, #tpu.memory_space<hbm>>)
    %dma_wait3A_88 = arith.constant 0 : i32
    %dma_wait3A_89 = arith.constant 1 : i32
    %dma_wait3A_90 = arith.constant 0 : i32
    %dma_wait3A_91 = arith.constant 0 : i32
    %dma_wait3A_92 = arith.constant 0 : i32
    %dma_wait3A_93 = tpu.memref_slice %arg8[%dma_wait3A_88, %dma_wait3A_89, %dma_wait3A_91, %dma_wait3A_92] : memref<2x2x201x64xf32, #tpu.memory_space<vmem>> -> memref<1x1x201x64xf32, #tpu.memory_space<vmem>>
    %dma_wait3A_94 = tpu.memref_squeeze %dma_wait3A_93 : memref<1x1x201x64xf32, #tpu.memory_space<vmem>> -> memref<201x64xf32, #tpu.memory_space<vmem>>
    %dma_wait3A_95 = arith.constant 0 : i32
    %dma_wait3A_96 = arith.constant 0 : i32
    %dma_wait3A_97 = tpu.memref_slice %arg6[%dma_wait3A_90, %dma_wait3A_95, %dma_wait3A_96] : memref<4096x201x64xf32, #tpu.memory_space<hbm>> -> memref<1x201x64xf32, #tpu.memory_space<hbm>>
    %dma_wait3A_98 = tpu.memref_squeeze %dma_wait3A_97 : memref<1x201x64xf32, #tpu.memory_space<hbm>> -> memref<201x64xf32, #tpu.memory_space<hbm>>
    %dma_wait3A_99 = arith.constant 0 : i32
    %dma_wait3A_100 = arith.constant 0 : i32
    %dma_wait3A_101 = tpu.memref_slice %arg6[%dma_wait3A_90, %dma_wait3A_99, %dma_wait3A_100] : memref<4096x201x64xf32, #tpu.memory_space<hbm>> -> memref<1x201x64xf32, #tpu.memory_space<hbm>>
    %dma_wait3A_102 = tpu.memref_squeeze %dma_wait3A_101 : memref<1x201x64xf32, #tpu.memory_space<hbm>> -> memref<201x64xf32, #tpu.memory_space<hbm>>
    %dma_wait3A_103 = arith.constant 0 : i32
    %dma_wait3A_104 = arith.constant 0 : i32
    %dma_wait3A_105 = tpu.memref_slice %arg8[%dma_wait3A_88, %dma_wait3A_89, %dma_wait3A_103, %dma_wait3A_104] : memref<2x2x201x64xf32, #tpu.memory_space<vmem>> -> memref<1x1x201x64xf32, #tpu.memory_space<vmem>>
    %dma_wait3A_106 = tpu.memref_squeeze %dma_wait3A_105 : memref<1x1x201x64xf32, #tpu.memory_space<vmem>> -> memref<201x64xf32, #tpu.memory_space<vmem>>
    tpu.wait_dma2 semaphore(%arg14 : memref<!tpu.dma_semaphore, #tpu.memory_space<semaphore_mem>>) src(%dma_wait3A_106 : memref<201x64xf32, #tpu.memory_space<vmem>>) dst(%dma_wait3A_102 : memref<201x64xf32, #tpu.memory_space<hbm>>)
    %dma_wait3A_107 = arith.constant 1 : i32
    %dma_wait3A_108 = arith.constant 0 : i32
    %dma_wait3A_109 = arith.constant 0 : i32
    %dma_wait3A_110 = arith.constant 0 : i32
    %dma_wait3A_111 = arith.constant 0 : i32
    %dma_wait3A_112 = tpu.memref_slice %arg8[%dma_wait3A_107, %dma_wait3A_108, %dma_wait3A_110, %dma_wait3A_111] : memref<2x2x201x64xf32, #tpu.memory_space<vmem>> -> memref<1x1x201x64xf32, #tpu.memory_space<vmem>>
    %dma_wait3A_113 = tpu.memref_squeeze %dma_wait3A_112 : memref<1x1x201x64xf32, #tpu.memory_space<vmem>> -> memref<201x64xf32, #tpu.memory_space<vmem>>
    %dma_wait3A_114 = arith.constant 0 : i32
    %dma_wait3A_115 = arith.constant 0 : i32
    %dma_wait3A_116 = tpu.memref_slice %arg6[%dma_wait3A_109, %dma_wait3A_114, %dma_wait3A_115] : memref<4096x201x64xf32, #tpu.memory_space<hbm>> -> memref<1x201x64xf32, #tpu.memory_space<hbm>>
    %dma_wait3A_117 = tpu.memref_squeeze %dma_wait3A_116 : memref<1x201x64xf32, #tpu.memory_space<hbm>> -> memref<201x64xf32, #tpu.memory_space<hbm>>
    %dma_wait3A_118 = arith.constant 0 : i32
    %dma_wait3A_119 = arith.constant 0 : i32
    %dma_wait3A_120 = tpu.memref_slice %arg6[%dma_wait3A_109, %dma_wait3A_118, %dma_wait3A_119] : memref<4096x201x64xf32, #tpu.memory_space<hbm>> -> memref<1x201x64xf32, #tpu.memory_space<hbm>>
    %dma_wait3A_121 = tpu.memref_squeeze %dma_wait3A_120 : memref<1x201x64xf32, #tpu.memory_space<hbm>> -> memref<201x64xf32, #tpu.memory_space<hbm>>
    %dma_wait3A_122 = arith.constant 0 : i32
    %dma_wait3A_123 = arith.constant 0 : i32
    %dma_wait3A_124 = tpu.memref_slice %arg8[%dma_wait3A_107, %dma_wait3A_108, %dma_wait3A_122, %dma_wait3A_123] : memref<2x2x201x64xf32, #tpu.memory_space<vmem>> -> memref<1x1x201x64xf32, #tpu.memory_space<vmem>>
    %dma_wait3A_125 = tpu.memref_squeeze %dma_wait3A_124 : memref<1x1x201x64xf32, #tpu.memory_space<vmem>> -> memref<201x64xf32, #tpu.memory_space<vmem>>
    tpu.wait_dma2 semaphore(%arg15 : memref<!tpu.dma_semaphore, #tpu.memory_space<semaphore_mem>>) src(%dma_wait3A_125 : memref<201x64xf32, #tpu.memory_space<vmem>>) dst(%dma_wait3A_121 : memref<201x64xf32, #tpu.memory_space<hbm>>)
    %dma_wait3A_126 = arith.constant 1 : i32
    %dma_wait3A_127 = arith.constant 1 : i32
    %dma_wait3A_128 = arith.constant 0 : i32
    %dma_wait3A_129 = arith.constant 0 : i32
    %dma_wait3A_130 = arith.constant 0 : i32
    %dma_wait3A_131 = tpu.memref_slice %arg8[%dma_wait3A_126, %dma_wait3A_127, %dma_wait3A_129, %dma_wait3A_130] : memref<2x2x201x64xf32, #tpu.memory_space<vmem>> -> memref<1x1x201x64xf32, #tpu.memory_space<vmem>>
    %dma_wait3A_132 = tpu.memref_squeeze %dma_wait3A_131 : memref<1x1x201x64xf32, #tpu.memory_space<vmem>> -> memref<201x64xf32, #tpu.memory_space<vmem>>
    %dma_wait3A_133 = arith.constant 0 : i32
    %dma_wait3A_134 = arith.constant 0 : i32
    %dma_wait3A_135 = tpu.memref_slice %arg6[%dma_wait3A_128, %dma_wait3A_133, %dma_wait3A_134] : memref<4096x201x64xf32, #tpu.memory_space<hbm>> -> memref<1x201x64xf32, #tpu.memory_space<hbm>>
    %dma_wait3A_136 = tpu.memref_squeeze %dma_wait3A_135 : memref<1x201x64xf32, #tpu.memory_space<hbm>> -> memref<201x64xf32, #tpu.memory_space<hbm>>
    %dma_wait3A_137 = arith.constant 0 : i32
    %dma_wait3A_138 = arith.constant 0 : i32
    %dma_wait3A_139 = tpu.memref_slice %arg6[%dma_wait3A_128, %dma_wait3A_137, %dma_wait3A_138] : memref<4096x201x64xf32, #tpu.memory_space<hbm>> -> memref<1x201x64xf32, #tpu.memory_space<hbm>>
    %dma_wait3A_140 = tpu.memref_squeeze %dma_wait3A_139 : memref<1x201x64xf32, #tpu.memory_space<hbm>> -> memref<201x64xf32, #tpu.memory_space<hbm>>
    %dma_wait3A_141 = arith.constant 0 : i32
    %dma_wait3A_142 = arith.constant 0 : i32
    %dma_wait3A_143 = tpu.memref_slice %arg8[%dma_wait3A_126, %dma_wait3A_127, %dma_wait3A_141, %dma_wait3A_142] : memref<2x2x201x64xf32, #tpu.memory_space<vmem>> -> memref<1x1x201x64xf32, #tpu.memory_space<vmem>>
    %dma_wait3A_144 = tpu.memref_squeeze %dma_wait3A_143 : memref<1x1x201x64xf32, #tpu.memory_space<vmem>> -> memref<201x64xf32, #tpu.memory_space<vmem>>
    tpu.wait_dma2 semaphore(%arg15 : memref<!tpu.dma_semaphore, #tpu.memory_space<semaphore_mem>>) src(%dma_wait3A_144 : memref<201x64xf32, #tpu.memory_space<vmem>>) dst(%dma_wait3A_140 : memref<201x64xf32, #tpu.memory_space<hbm>>)
    return
  }
}

</mosaic_0001>

<sc_bundles>
// kernel: _run.3.cloned.1.call-start
scs
__scs_entry_jumppad:
0x0: {  	(pc) =	sbr.rel $0x88, $3  }
0x1: {  	(tag) =	ssettag $0x0;
	lr =	simm.s32 $0x1  }
0x2: {  	[smem:$0x3F9D] =	sst lr;
	_ =	strace $0xD0000000  }
0x3: {  	_ = 	snop  }
0x4: {  	_ = 	snop  }
0x5: {  	_ = 	snop  }
0x6: {  	_ = 	snop  }
0x7: {  	_ = 	snop  }
__scs_overlays_trampoline_lowered:
0x8: {  	[smem:$0x3FAC] =	sst s0  }
0x9: {  	[smem:$0x3FAD] =	sst s1  }
0xa: {  	[smem:$0x3FAE] =	sst s2  }
0xb: {  	[smem:$0x3FAF] =	sst s3  }
0xc: {  	[smem:$0x3FB0] =	sst s4  }
0xd: {  	[smem:$0x3FB1] =	sst s5  }
0xe: {  	[smem:$0x3FB2] =	sst s6  }
0xf: {  	[smem:$0x3FB3] =	sst s7  }
0x10: {  	[smem:$0x3FB4] =	sst s8  }
0x11: {  	[smem:$0x3FB5] =	sst s9;
	s0 =	simm.s32 @!p0 $0x0  }
0x12: {  	s1 =	sld [smem:$0x3F9B];
	s0 =	simm.s32 @p0 $0x1  }
0x13: {  	[smem:$0x3FB6] =	sst s0;
	s0 =	simm.s32 @!p1 $0x0  }
0x14: {  	s2 =	sld [smem:$0x3F9A];
	s0 =	simm.s32 @p1 $0x1  }
0x15: {  	[smem:$0x3FB7] =	sst s0;
	s0 =	simm.s32 @!p2 $0x0  }
0x16: {  	s3 =	sld [smem:$0x3FDB];
	s0 =	simm.s32 @p2 $0x1  }
0x17: {  	s4 =	simm.s32 $0x1BF5;
	[smem:$0x3FB9] =	sst s0  }
0x18: {  	s0 =	sld [smem:$0x3F9C];
	_ =	swait.ge [sflag:s4], $0x0  }
0x19: {  	s7 =	sld [smem:$0x3F9D]  }
0x1a: {  	s8 =	sadd.s32 $0xFFFFE003, lr  }
0x1b: {  	s9 =	sadd.s32 $0xFFFFFEF7, lr;
	s5 =	simm.s32 $0xFFFFFFFF;
	p2 =	slt.u32 s8, $0xFFFFF086  }
0x1c: {  	p1 =	slt.u32 s9, $0xF7A;
	s5 =	simm.s32 @!p2 $0x0  }
0x1d: {  	s5 =	simm.s32 @p1 $0x1;
	p0 =	seq.s32 s7, s2  }
0x1e: {  	s7 =	smul.u32 @!p0 $0xF7A, s2;
	p2 =	seq.s32 @!p0 s5, $0x0  }
0x1f: {  	s9 =	smul.u32 $0xF7A, s1;
	s8 =	simm.s32 @!p0 $0x1BF5;
	p2 =	por !p2, p0  }
0x20: {  	[sflag:s8] =	ssyncset.s32 @!p0 $0xFFFFF086;
	s6 =	sadd.s32 @!p0 s3, s7;
	s7 =	simm.s32 @!p0 $0x108  }
0x21: {  	s3 =	sadd.s32 s3, s9;
	s6 =	sadd.s32 @!p0 $0x88, s6;
	s7 =	simm.s32 @p2 $0x1082  }
0x22: {  	[simem:s7], [sflag:s8] =	dma.local @!p0 [hbm:s6], $0xF7A  }
0x23: {  	s9 =	sor.u32 $0xD0000000, s2;
	s6 =	simm.s32 $0x108;
	_ =	swait.ge @!p0 [sflag:s8], $0x0  }
0x24: {  	s3 =	sadd.s32 $0x88, s3;
	s6 =	simm.s32 @!p1 $0x1082;
	[sflag:s4] =	ssyncset.s32 $0xFFFFF086  }
0x25: {  	[simem:s6], [sflag:s4] =	dma.local [hbm:s3], $0xF7A  }
0x26: {  	[smem:$0x3F9D] =	sst s1;
	(tag) =	ssettag s2;
	_ =	strace s9  }
0x27: {  	s1 =	sld [smem:$0x3FAD]  }
0x28: {  	s2 =	sld [smem:$0x3FAE]  }
0x29: {  	s4 =	sld [smem:$0x3FB0]  }
0x2a: {  	p0 =	seq.s32 s5, $0x0;
	s5 =	sld [smem:$0x3FB1]  }
0x2b: {  	s6 =	sld [smem:$0x3FB2]  }
0x2c: {  	s7 =	sld [smem:$0x3FB3]  }
0x2d: {  	s3 =	simm.s32 $0x108;
	s8 =	sld [smem:$0x3FB4]  }
0x2e: {  	s3 =	simm.s32 @!p0 $0x1082;
	s9 =	sld [smem:$0x3FB5]  }
0x2f: {  	lr =	sadd.s32 s0, s3;
	s0 =	sld [smem:$0x3FAC]  }
0x30: {  	s3 =	sld [smem:$0x3FAF]  }
0x31: {  	[smem:$0x3FB8] =	sst s10  }
0x32: {  	s10 =	sld [smem:$0x3FB6];
	_ =	sdelay $0x3  }
0x33: {  	p0 =	seq.s32 s10, $0x1;
	s10 =	sld [smem:$0x3FB8];
	_ =	sdelay $0x3  }
0x34: {  	[smem:$0x3FB8] =	sst s10  }
0x35: {  	s10 =	sld [smem:$0x3FB7];
	_ =	sdelay $0x3  }
0x36: {  	p1 =	seq.s32 s10, $0x1;
	s10 =	sld [smem:$0x3FB8];
	_ =	sdelay $0x3  }
0x37: {  	[smem:$0x3FB8] =	sst s10  }
0x38: {  	s10 =	sld [smem:$0x3FB9]  }
0x39: {  	_ = 	snop;
	(pc) =	sbr.ind lr, $3  }
0x3a: {  	_ = 	snop  }
0x3b: {  	_ = 	snop  }
0x3c: {  	p2 =	seq.s32 s10, $0x1;
	s10 =	sld [smem:$0x3FB8]  }
0x3d: {  	_ =	shalt  }
0x3e: {  	_ =	shalt  }
0x3f: {  	_ =	shalt  }
0x40: {  	_ =	shalt  }
0x41: {  	_ =	shalt  }
0x42: {  	_ =	shalt  }
0x43: {  	_ =	shalt  }
0x44: {  	_ =	shalt  }
0x45: {  	_ =	shalt  }
0x46: {  	_ =	shalt  }
0x47: {  	_ =	shalt  }
0x48: {  	_ =	shalt  }
0x49: {  	_ =	shalt  }
0x4a: {  	_ =	shalt  }
0x4b: {  	_ =	shalt  }
0x4c: {  	_ =	shalt  }
0x4d: {  	_ =	shalt  }
0x4e: {  	_ =	shalt  }
0x4f: {  	_ =	shalt  }
0x50: {  	_ =	shalt  }
0x51: {  	_ =	shalt  }
0x52: {  	_ =	shalt  }
0x53: {  	_ =	shalt  }
0x54: {  	_ =	shalt  }
0x55: {  	_ =	shalt  }
0x56: {  	_ =	shalt  }
0x57: {  	_ =	shalt  }
0x58: {  	_ =	shalt  }
0x59: {  	_ =	shalt  }
0x5a: {  	_ =	shalt  }
0x5b: {  	_ =	shalt  }
0x5c: {  	_ =	shalt  }
0x5d: {  	_ =	shalt  }
0x5e: {  	_ =	shalt  }
0x5f: {  	_ =	shalt  }
0x60: {  	_ =	shalt  }
0x61: {  	_ =	shalt  }
0x62: {  	_ =	shalt  }
0x63: {  	_ =	shalt  }
0x64: {  	_ =	shalt  }
0x65: {  	_ =	shalt  }
0x66: {  	_ =	shalt  }
0x67: {  	_ =	shalt  }
0x68: {  	_ =	shalt  }
0x69: {  	_ =	shalt  }
0x6a: {  	_ =	shalt  }
0x6b: {  	_ =	shalt  }
0x6c: {  	_ =	shalt  }
0x6d: {  	_ =	shalt  }
0x6e: {  	_ =	shalt  }
0x6f: {  	_ =	shalt  }
0x70: {  	_ =	shalt  }
0x71: {  	_ =	shalt  }
0x72: {  	_ =	shalt  }
0x73: {  	_ =	shalt  }
0x74: {  	_ =	shalt  }
0x75: {  	_ =	shalt  }
0x76: {  	_ =	shalt  }
0x77: {  	_ =	shalt  }
0x78: {  	_ =	shalt  }
0x79: {  	_ =	shalt  }
0x7a: {  	_ =	shalt  }
0x7b: {  	_ =	shalt  }
0x7c: {  	_ =	shalt  }
0x7d: {  	_ =	shalt  }
0x7e: {  	_ =	shalt  }
0x7f: {  	_ =	shalt  }
0x80: {  	_ =	shalt  }
0x81: {  	_ =	shalt  }
0x82: {  	_ =	shalt  }
0x83: {  	_ =	shalt  }
0x84: {  	_ =	shalt  }
0x85: {  	_ =	shalt  }
0x86: {  	_ =	shalt  }
0x87: {  	_ =	shalt  }
.Lfunc_end0:
.L_simem_size_0:
called_computation.1_lowered:
.L_overlay_start_0:
0x88: {  	s2 =	sld [smem:$0x3FD9]  }
0x89: {  	s3 =	sld [smem:$0x3FFE];
	_ =	sdelay $0x1  }
0x8a: {  	s1 =	srdreg.scid  }
0x8b: {  	s0 =	sand.u32 $0x1, s1  }
0x8c: {  	s17 =	sshll.u32 s0, $0xA;
	s2 =	sadd.s32 s3, s2  }
0x8d: {  	s2 =	sadd.s32 s2, s17  }
0x8e: {  	[smem:$0x3FC4] =	sst s2  }
0x8f: {  	_ = 	snop  }
0x90: {  	s2 =	sld [smem:$0x3FC8]  }
0x91: {  	s18 =	sld [smem:$0x3FD0];
	(tm) =	ssettm $0x1  }
0x92: {  	s4 =	sld [smem:$0x3FFB];
	_ =	sdelay $0x3  }
0x93: {  	_ =	strace s4  }
0x94: {  	s4 =	sld [smem:$0x3FFC];
	_ =	sdelay $0x3  }
0x95: {  	_ =	strace s4  }
0x96: {  	s4 =	sld [smem:$0x3FFD];
	_ =	sdelay $0x3  }
0x97: {  	_ =	strace s4  }
0x98: {  	_ =	strace $0x8FFFFFFF  }
0x99: {  	s19 =	sld [smem:$0x3FDB];
	_ =	sdelay $0x1  }
0x9a: {  	s5 =	simm.s32 $_scs_section_size  }
0x9b: {  	s6 =	simm.s32 $_size__tile_overlayer_lowered;
	s7 =	simm.s32 $_tile_overlayer_lowered  }
0x9c: {  	s22 =	simm.s32 $0x1BFF;
	s21 =	sshll.u32 s7, $0x1;
	s4 =	sadd.s32 s5, s19  }
0x9d: {  	s8 =	simm.s32 $0x0;
	s20 =	sshll.u32 s6, $0x1;
	s6 =	sadd.s32 s21, s4  }
0x9e: {  	[timem:s8], [sflag:s22] =	dma.local [hbm:s6], s20  }
0x9f: {  	_ =	swait.ge [sflag:s22], s20  }
0xa0: {  	s5 =	ssub.s32 $0x0, s20;
	[sflag:s22] =	ssyncset.done $0x0  }
0xa1: {  	[sflag:s22] =	ssyncadd.s32 s5;
	_ =	sdelay $0x1  }
0xa2: {  	s23 =	simm.s32 $0x1B8B  }
0xa3: {  	_ =	swait.ge [sflag:s23], $0x1  }
0xa4: {  	[sflag:s23] =	ssyncset.done $0x0  }
0xa5: {  	s25 =	simm.s32 $0x1B8E;
	s24 =	sld [smem:$0x3FFE];
	[sflag:s23] =	ssyncadd.s32 $0xFFFFFFFF  }
0xa6: {  	s26 =	simm.s32 $execute0_lowered;
	[smem:$0x3FD2] =	sst s25  }
0xa7: {  	s6 =	sshll.u32 s26, $0x1;
	_ =	strace $0x80000046;
	[dreg:$0x1] =	wrdreg $0xFFFFFFFF  }
0xa8: {  	s28 =	simm.s32 $_size_execute0_lowered;
	s4 =	sadd.s32 s4, s6;
	[dreg:$0x0] =	wrdreg $0x0  }
0xa9: {  	s6 =	sshll.u32 s28, $0x1;
	[dreg:$0x2] =	wrdreg s4  }
0xaa: {  	[dreg:$0x3] =	wrdreg s6  }
0xab: {  	[dreg:$0x4] =	wrdreg $0xC0  }
0xac: {  	_ =	task [dreg:s8], $0x5FFFF  }
0xad: {  	[dreg:$0x1] =	wrdreg $0xFFFFFFFF  }
0xae: {  	[dreg:$0x0] =	wrdreg $0x60  }
0xaf: {  	[dreg:$0x2] =	wrdreg s24  }
0xb0: {  	[dreg:$0x3] =	wrdreg s2  }
0xb1: {  	[dreg:$0x4] =	wrdreg s18  }
0xb2: {  	[dreg:$0x5] =	wrdreg $0x9  }
0xb3: {  	_ =	task.clear_ibuf [dreg:s8], $0x6FFFF;
	_ =	strace $0x90000046  }
0xb4: {  	s29 =	simm.s32 $0x9;
	_ =	strace $0x80000048  }
0xb5: {  	_ =	swait.ge [sflag:s29], $0x1  }
0xb6: {  	[sflag:s29] =	ssyncadd.s32 $0xFFFFFFFF  }
0xb7: {  	_ =	strace $0x90000048  }
0xb8: {  	_ =	sfence  }
0xb9: {  	s30 =	sld [smem:$0x0];
	_ =	sdelay $0x2  }
0xba: {  	s31 =	sshll.u32 s1, $0xD;
	s1 =	sshrl.u32 s1, $0x2  }
0xbb: {  	s3 =	sand.u32 $0x4000, s31;
	s1 =	sadd.s32 s1, s30  }
0xbc: {  	s0 =	sor.u32 s3, s0;
	s1 =	sshll.u32 s1, $0x11  }
0xbd: {  	s0 =	sor.u32 s1, s0  }
0xbe: {  	s0 =	sadd.s32 $0x8F2B, s0  }
0xbf: {  	[sflag:s0] =	ssyncadd.remote.s32 $0x1  }
0xc0: {  	_ =	sfence.sel $0xFFFF  }
0xc1: {  	[dreg:$0x0] =	wrdreg $0xFFFFFFFF;
	(pc) =	sbr.abs _section_cstart, $3  }
0xc2: {  	[dreg:$0x1] =	wrdreg $0xFFFFFFFF  }
0xc3: {  	_ =	task.clear_ibuf [dreg:s8], $0x2FFFF;
	_ =	strace $0x9FFFFFFF  }
0xc4: {  	(tm) =	ssettm $0x7FFFFFFF  }
0xc5: {  	_ =	shalt  }
tec
execute0_lowered:
.L_overlay_start_1:
0x0: {  	(tag) =	ssettag $0x1  }
0x1: {  	s0 =	rddreg [dreg:$0x0]  }
0x2: {  	s1 =	rddreg [dreg:$0x1]  }
0x3: {  	s8 =	rddreg [dreg:$0x2]  }
0x4: {  	s2 =	srdreg.scid;
	s14 =	stileid.u32;
	s19 =	simm.s32 $0x67E0  }
0x5: {  	s20 =	simm.s32 $0x1F8;
	s21 =	simm.s32 $0x81E0;
	s22 =	simm.s32 $0x258  }
0x6: {  	s23 =	simm.s32 $0x9A20;
	s24 =	simm.s32 $0x2C0;
	s25 =	simm.s32 $0xB420  }
0x7: {  	s28 =	simm.s32 $0x99E0;
	s29 =	simm.s32 $0x4;
	s30 =	simm.s32 $0x5  }
0x8: {  	s31 =	simm.s32 $0x0;
	s9 =	sand.u32 $0x1, s2;
	s2 =	simm.s32 $0x0  }
0x9: {  	s3 =	sshll.u32 s14, $0x8;
	s11 =	smul.u32 $0x1900, s14;
	[smem:$0x7FF] =	sst s2  }
0xa: {  	s13 =	smul.u32 $0x324000, s14;
	_ =	strace $0x80000047;
	[dreg:$0x7] =	wrdreg s19  }
0xb: {  	s10 =	sadd.s32 $0xC00, s0;
	s14 =	smul.u32 $0x64800, s14;
	[dreg:$0x8] =	wrdreg s20  }
0xc: {  	s4 =	sshll.u32 s9, $0x7;
	s26 =	ssub.s32 $0x2, s9;
	[dreg:$0x9] =	wrdreg s21  }
0xd: {  	s12 =	smul.u32 $0xC80, s9;
	s5 =	sor.u32 s4, s3;
	[dreg:$0xa] =	wrdreg s22  }
0xe: {  	s3 =	sadd.s32 $0xF43000, s0;
	s0 =	sadd.s32 $0x19C00, s0;
	[dreg:$0xb] =	wrdreg s23  }
0xf: {  	s7 =	sshrl.u32 s26, $0x1;
	s4 =	smul.u32 $0x192000, s9;
	[dreg:$0xc] =	wrdreg s24  }
0x10: {  	s9 =	smul.u32 $0x32400, s9;
	s22 =	simm.s32 $0x190;
	[dreg:$0xd] =	wrdreg s25  }
0x11: {  	s23 =	simm.s32 $0x2;
	s24 =	simm.s32 $0x3560;
	s25 =	simm.s32 $0x3  }
0x12: {  	s6 =	smul.u32 $0x19, s5;
	[dreg:$0xf] =	wrdreg s0;
	s5 =	sshrl.u32 s5, $0x3  }
0x13: {  	s0 =	ssub.s32 s26, s7;
	s26 =	simm.s32 $0x320;
	s5 =	sadd.s32 s1, s5  }
0x14: {  	s7 =	smax.u32 s0, $0x1;
	s1 =	sadd.s32 s4, s13;
	s0 =	sadd.s32 s14, s8  }
0x15: {  	s13 =	simm.s32 $0x1;
	s14 =	simm.s32 $0x68;
	[dreg:$0xe] =	wrdreg s26  }
0x16: {  	s26 =	simm.s32 $0x67A0;
	s6 =	sadd.s32 s10, s6;
	s10 =	sadd.s32 s11, s10  }
0x17: {  	s15 =	sadd.s32 $0x3240, s1;
	s0 =	sadd.s32 s9, s0;
	s1 =	sadd.s32 $0x96C0, s1  }
0x18: {  	s9 =	simm.s32 $0xCC20;
	s10 =	sadd.s32 s12, s10;
	s16 =	sshrl.u32 s15, $0x3  }
0x19: {  	[dreg:$0x4] =	wrdreg s0;
	s1 =	sshrl.u32 s1, $0x3;
	s17 =	sadd.s32 s16, s8  }
0x1a: {  	s11 =	sadd.s32 $0x64, s10;
	s18 =	sadd.s32 s1, s8;
	[dreg:$0x5] =	wrdreg s17  }
0x1b: {  	s10 =	simm.s32 $0x6;
	s16 =	simm.s32 $0x60;
	[dreg:$0x6] =	wrdreg s18  }
.LBB2_1:
0x1c: {  	[tilespmem:s9], [sflag:$0x6] =	stream.linear.gather [hbm4b:s5+s2], $0x80, $0x38;
	[tilespmem:$0xECA0] =	vst v63  }
0x1d: {  	_ =	swait.ge [sflag:s10], $0x80  }
0x1e: {  	s1 =	simm.s32 $0x80;
	[sflag:s10] =	ssyncset.done $0x0  }
0x1f: {  	s4 =	simm.s32 $0xCCA0;
	s0 =	rddreg [dreg:$0xf];
	[sflag:s10] =	ssyncadd.s32 $0xFFFFFF80  }
0x20: {  	[tilespmem:s4], [sflag:$0x1] =	stream.indirect.gather [hbm4b:s0+s1], $0x40, s9, s1, $0xb8;
	[tilespmem:$0xECA0] =	vst v63  }
0x21: {  	_ =	swait.ge [sflag:s13], $0x2000  }
0x22: {  	[sflag:s13] =	ssyncset.done $0x0  }
0x23: {  	[sflag:s13] =	ssyncadd.s32 $0xFFFFE000  }
0x24: {  	[tilespmem:s2], [sflag:$0x6] =	stream.linear.gather [hbm4b:s6+s2], $0x190, $0x38;
	[tilespmem:$0xECA0] =	vst v63  }
0x25: {  	_ =	swait.ge [sflag:s10], $0x190  }
0x26: {  	[sflag:s10] =	ssyncset.done $0x0  }
0x27: {  	s1 =	simm.s32 $0x360;
	[sflag:s10] =	ssyncadd.s32 $0xFFFFFE70  }
0x28: {  	[tilespmem:s1], [sflag:$0x2] =	stream.indirect.gather [hbm4b:s3+s14], $0x40, s2, s14, $0xb8;
	[tilespmem:$0xECA0] =	vst v63  }
0x29: {  	s4 =	simm.s32 $0x1D60  }
0x2a: {  	[tilespmem:s4], [sflag:$0x2] =	stream.indirect.gather [hbm4b:s3+s16], $0x40, s14, s16, $0xb8;
	[tilespmem:$0xECA0] =	vst v63  }
0x2b: {  	s8 =	simm.s32 $0xC8;
	s12 =	simm.s32 $0x35A0;
	p0 =	por $0x1, $0x1  }
0x2c: {  	[tilespmem:s12], [sflag:$0x2] =	stream.indirect.gather [hbm4b:s3+s14], $0x40, s8, s14, $0xb8;
	[tilespmem:$0xECA0] =	vst v63  }
0x2d: {  	s15 =	simm.s32 $0x130;
	s17 =	simm.s32 $0x4FA0;
	s0 =	simm.s32 @!p0 $0x5  }
0x2e: {  	[tilespmem:s17], [sflag:$0x2] =	stream.indirect.gather [hbm4b:s3+s16], $0x40, s15, s16, $0xb8;
	[tilespmem:$0xECA0] =	vst v63  }
0x2f: {  	_ =	swait.ge @!p0 [sflag:s0], $0x3240  }
0x30: {  	[sflag:s0] =	ssyncset.done @!p0 $0x0  }
0x31: {  	[sflag:s0] =	ssyncadd.s32 @!p0 $0xFFFFCDC0  }
0x32: {  	_ =	swait.ge @!p0 [sflag:s0], $0x3240  }
0x33: {  	[sflag:s0] =	ssyncset.done @!p0 $0x0  }
0x34: {  	s18 =	sadd.s32 $0xFFFFFFCE, s11;
	[sflag:s0] =	ssyncadd.s32 @!p0 $0xFFFFCDC0  }
0x35: {  	[tilespmem:s22], [sflag:$0x6] =	stream.linear.gather [hbm4b:s18+s2], $0x190, $0x38;
	[tilespmem:$0xECA0] =	vst v63  }
0x36: {  	_ =	swait.ge [sflag:s10], $0x190  }
0x37: {  	s19 =	rddreg [dreg:$0x8]  }
0x38: {  	s20 =	rddreg [dreg:$0x9]  }
0x39: {  	s8 =	rddreg [dreg:$0x7];
	[sflag:s10] =	ssyncset.done $0x0  }
0x3a: {  	s12 =	rddreg [dreg:$0xb];
	[sflag:s10] =	ssyncadd.s32 $0xFFFFFE70  }
0x3b: {  	[tilespmem:s8], [sflag:$0x3] =	stream.indirect.gather [hbm4b:s3+s14], $0x40, s22, s14, $0xb8;
	[tilespmem:$0xECA0] =	vst v63  }
0x3c: {  	s15 =	rddreg [dreg:$0xd]  }
0x3d: {  	[tilespmem:s20], [sflag:$0x3] =	stream.indirect.gather [hbm4b:s3+s16], $0x40, s19, s16, $0xb8;
	[tilespmem:$0xECA0] =	vst v63  }
0x3e: {  	s21 =	rddreg [dreg:$0xa]  }
0x3f: {  	[tilespmem:s12], [sflag:$0x3] =	stream.indirect.gather [hbm4b:s3+s14], $0x40, s21, s14, $0xb8;
	[tilespmem:$0xECA0] =	vst v63  }
0x40: {  	s1 =	rddreg [dreg:$0xc]  }
0x41: {  	[tilespmem:s15], [sflag:$0x3] =	stream.indirect.gather [hbm4b:s3+s16], $0x40, s1, s16, $0xb8;
	[tilespmem:$0xECA0] =	vst v63  }
0x42: {  	_ =	swait.ge [sflag:s23], $0x1A00  }
0x43: {  	[sflag:s23] =	ssyncset.done $0x0  }
0x44: {  	[sflag:s23] =	ssyncadd.s32 $0xFFFFE600  }
0x45: {  	_ =	swait.ge [sflag:s23], $0x1800  }
0x46: {  	[sflag:s23] =	ssyncset.done $0x0  }
0x47: {  	[sflag:s23] =	ssyncadd.s32 $0xFFFFE800  }
0x48: {  	_ =	swait.ge [sflag:s23], $0x1A00  }
0x49: {  	[sflag:s23] =	ssyncset.done $0x0  }
0x4a: {  	[sflag:s23] =	ssyncadd.s32 $0xFFFFE600  }
0x4b: {  	_ =	swait.ge [sflag:s23], $0x1800  }
0x4c: {  	[sflag:s23] =	ssyncset.done $0x0  }
0x4d: {  	s4 =	simm.s32 $0xCD20;
	[sflag:s23] =	ssyncadd.s32 $0xFFFFE800  }
0x4e: {  	v0 =	vld [tilespmem:s4+$0xFFFFFF80];
	_ =	sdelay $0x4  }
0x4f: {  	[tilespmem:$0x320] =	vst v0  }
0x50: {  	v0 =	vld [tilespmem:s4+$0xFFFFFF90];
	_ =	sdelay $0x4  }
0x51: {  	[tilespmem:$0x330] =	vst v0  }
0x52: {  	v0 =	vld [tilespmem:s4+$0xFFFFFFA0];
	_ =	sdelay $0x4  }
0x53: {  	[tilespmem:$0x340] =	vst v0  }
0x54: {  	v0 =	vld [tilespmem:s4+$0xFFFFFFB0];
	_ =	sdelay $0x3  }
0x55: {  	s18 =	rddreg [dreg:$0x4]  }
0x56: {  	s19 =	rddreg [dreg:$0xe];
	s0 =	sadd.s32 $0x0, s18;
	[tilespmem:$0x350] =	vst v0  }
0x57: {  	[hbm4b:s0+s2] =	stream.linear.scatter [tilespmem:s19], [sflag:$0x4], $0x3240, $0x38;
	[tilespmem:$0xECA0] =	vst v63  }
0x58: {  	v0 =	vld [tilespmem:s4+$0xFFFFFFC0];
	_ =	sdelay $0x4  }
0x59: {  	[tilespmem:$0x3560] =	vst v0  }
0x5a: {  	v0 =	vld [tilespmem:s4+$0xFFFFFFD0];
	_ =	sdelay $0x4  }
0x5b: {  	[tilespmem:$0x3570] =	vst v0  }
0x5c: {  	v0 =	vld [tilespmem:s4+$0xFFFFFFE0];
	_ =	sdelay $0x4  }
0x5d: {  	[tilespmem:$0x3580] =	vst v0  }
0x5e: {  	v0 =	vld [tilespmem:s4+$0xFFFFFFF0];
	_ =	sdelay $0x3  }
0x5f: {  	p0 =	por $0x0, $0x0;
	s20 =	rddreg [dreg:$0x5]  }
0x60: {  	s12 =	simm.s32 @!p0 $0x4;
	s8 =	sadd.s32 $0x0, s20;
	[tilespmem:$0x3590] =	vst v0  }
0x61: {  	[hbm4b:s8+s2] =	stream.linear.scatter [tilespmem:s24], [sflag:$0x4], $0x3240, $0x38;
	[tilespmem:$0xECA0] =	vst v63  }
0x62: {  	_ =	swait.ge @!p0 [sflag:s12], $0x3240  }
0x63: {  	[sflag:s12] =	ssyncset.done @!p0 $0x0  }
0x64: {  	[sflag:s12] =	ssyncadd.s32 @!p0 $0xFFFFCDC0  }
0x65: {  	_ =	swait.ge @!p0 [sflag:s12], $0x3240  }
0x66: {  	[sflag:s12] =	ssyncset.done @!p0 $0x0  }
0x67: {  	s8 =	simm.s32 @!p0 $0x0;
	[sflag:s12] =	ssyncadd.s32 @!p0 $0xFFFFCDC0;
	s12 =	simm.s32 @!p0 $0x6  }
0x68: {  	[tilespmem:s8], [sflag:$0x6] =	stream.linear.gather @!p0 [hbm4b:s11+s8], $0x190, $0x38;
	[tilespmem:$0xECA0] =	vst v63  }
0x69: {  	_ =	swait.ge @!p0 [sflag:s12], $0x190  }
0x6a: {  	[sflag:s12] =	ssyncset.done @!p0 $0x0  }
0x6b: {  	s17 =	simm.s32 @!p0 $0x360;
	s15 =	simm.s32 @!p0 $0x68;
	[sflag:s12] =	ssyncadd.s32 @!p0 $0xFFFFFE70  }
0x6c: {  	[tilespmem:s17], [sflag:$0x2] =	stream.indirect.gather @!p0 [hbm4b:s3+s15], $0x40, s8, s15, $0xb8;
	[tilespmem:$0xECA0] =	vst v63  }
0x6d: {  	s12 =	simm.s32 @!p0 $0x1D60;
	s8 =	simm.s32 @!p0 $0x60  }
0x6e: {  	[tilespmem:s12], [sflag:$0x2] =	stream.indirect.gather @!p0 [hbm4b:s3+s8], $0x40, s15, s8, $0xb8;
	[tilespmem:$0xECA0] =	vst v63  }
0x6f: {  	s17 =	simm.s32 @!p0 $0x35A0;
	s12 =	simm.s32 @!p0 $0xC8  }
0x70: {  	[tilespmem:s17], [sflag:$0x2] =	stream.indirect.gather @!p0 [hbm4b:s3+s15], $0x40, s12, s15, $0xb8;
	[tilespmem:$0xECA0] =	vst v63  }
0x71: {  	s12 =	simm.s32 @!p0 $0x130;
	s15 =	simm.s32 @!p0 $0x4FA0  }
0x72: {  	[tilespmem:s15], [sflag:$0x2] =	stream.indirect.gather @!p0 [hbm4b:s3+s8], $0x40, s12, s8, $0xb8;
	[tilespmem:$0xECA0] =	vst v63  }
0x73: {  	_ =	swait.ge [sflag:s25], $0x1A00  }
0x74: {  	[sflag:s25] =	ssyncset.done $0x0  }
0x75: {  	[sflag:s25] =	ssyncadd.s32 $0xFFFFE600  }
0x76: {  	_ =	swait.ge [sflag:s25], $0x1800  }
0x77: {  	[sflag:s25] =	ssyncset.done $0x0  }
0x78: {  	[sflag:s25] =	ssyncadd.s32 $0xFFFFE800  }
0x79: {  	_ =	swait.ge [sflag:s25], $0x1A00  }
0x7a: {  	[sflag:s25] =	ssyncset.done $0x0  }
0x7b: {  	[sflag:s25] =	ssyncadd.s32 $0xFFFFE600  }
0x7c: {  	_ =	swait.ge [sflag:s25], $0x1800  }
0x7d: {  	[sflag:s25] =	ssyncset.done $0x0  }
0x7e: {  	[sflag:s25] =	ssyncadd.s32 $0xFFFFE800  }
0x7f: {  	v0 =	vld [tilespmem:s4+$0x0];
	_ =	sdelay $0x4  }
0x80: {  	[tilespmem:$0x67A0] =	vst v0  }
0x81: {  	v0 =	vld [tilespmem:s4+$0x10];
	_ =	sdelay $0x4  }
0x82: {  	[tilespmem:$0x67B0] =	vst v0  }
0x83: {  	v0 =	vld [tilespmem:s4+$0x20];
	_ =	sdelay $0x4  }
0x84: {  	[tilespmem:$0x67C0] =	vst v0  }
0x85: {  	v0 =	vld [tilespmem:s4+$0x30];
	_ =	sdelay $0x4  }
0x86: {  	s0 =	sadd.s32 $0xC90, s0;
	[tilespmem:$0x67D0] =	vst v0  }
0x87: {  	[hbm4b:s0+s2] =	stream.linear.scatter [tilespmem:s26], [sflag:$0x5], $0x3240, $0x38;
	[tilespmem:$0xECA0] =	vst v63  }
0x88: {  	v0 =	vld [tilespmem:s4+$0x40];
	_ =	sdelay $0x4  }
0x89: {  	[tilespmem:$0x99E0] =	vst v0  }
0x8a: {  	v0 =	vld [tilespmem:s4+$0x50];
	_ =	sdelay $0x4  }
0x8b: {  	[tilespmem:$0x99F0] =	vst v0  }
0x8c: {  	v0 =	vld [tilespmem:s4+$0x60];
	_ =	sdelay $0x4  }
0x8d: {  	s1 =	simm.s32 $0xCE20;
	s21 =	rddreg [dreg:$0x6];
	[tilespmem:$0x9A00] =	vst v0  }
0x8e: {  	s8 =	smov.u32 s11;
	s17 =	sadd.s32 $0x0, s21;
	s0 =	simm.s32 $0x1920;
	v0 =	vld [tilespmem:s4+$0x70]  }
.LBB2_2:
0x8f: {  	_ =	sdelay $0x2  }
0x90: {  	p1 =	seq.s32 s0, $0x0  }
0x91: {  	s15 =	simm.s32 @!p1 $0x5;
	[tilespmem:$0x9A10] =	vst v0  }
0x92: {  	[hbm4b:s17+s2] =	stream.linear.scatter [tilespmem:s28], [sflag:$0x5], $0x3240, $0x38;
	[tilespmem:$0xECA0] =	vst v63  }
0x93: {  	_ =	swait.ge @!p1 [sflag:s15], $0x3240  }
0x94: {  	[sflag:s15] =	ssyncset.done @!p1 $0x0  }
0x95: {  	[sflag:s15] =	ssyncadd.s32 @!p1 $0xFFFFCDC0  }
0x96: {  	_ =	swait.ge @!p1 [sflag:s15], $0x3240  }
0x97: {  	s8 =	sadd.s32 $0x64, s8;
	[sflag:s15] =	ssyncset.done @!p1 $0x0  }
0x98: {  	s4 =	sadd.s32 $0xFFFFFFCE, s8;
	[sflag:s15] =	ssyncadd.s32 @!p1 $0xFFFFCDC0  }
0x99: {  	[tilespmem:s22], [sflag:$0x6] =	stream.linear.gather [hbm4b:s4+s2], $0x190, $0x38;
	[tilespmem:$0xECA0] =	vst v63  }
0x9a: {  	_ =	swait.ge [sflag:s10], $0x190  }
0x9b: {  	s17 =	rddreg [dreg:$0x8]  }
0x9c: {  	s4 =	rddreg [dreg:$0x9]  }
0x9d: {  	[sflag:s10] =	ssyncset.done $0x0;
	s18 =	rddreg [dreg:$0x7]  }
0x9e: {  	s19 =	rddreg [dreg:$0xb];
	[sflag:s10] =	ssyncadd.s32 $0xFFFFFE70  }
0x9f: {  	[tilespmem:s18], [sflag:$0x3] =	stream.indirect.gather [hbm4b:s3+s14], $0x40, s22, s14, $0xb8;
	[tilespmem:$0xECA0] =	vst v63  }
0xa0: {  	s20 =	rddreg [dreg:$0xd]  }
0xa1: {  	[tilespmem:s4], [sflag:$0x3] =	stream.indirect.gather [hbm4b:s3+s16], $0x40, s17, s16, $0xb8;
	[tilespmem:$0xECA0] =	vst v63  }
0xa2: {  	s21 =	rddreg [dreg:$0xa]  }
0xa3: {  	[tilespmem:s19], [sflag:$0x3] =	stream.indirect.gather [hbm4b:s3+s14], $0x40, s21, s14, $0xb8;
	[tilespmem:$0xECA0] =	vst v63  }
0xa4: {  	s4 =	rddreg [dreg:$0xc]  }
0xa5: {  	[tilespmem:s20], [sflag:$0x3] =	stream.indirect.gather [hbm4b:s3+s16], $0x40, s4, s16, $0xb8;
	[tilespmem:$0xECA0] =	vst v63  }
0xa6: {  	_ =	swait.ge [sflag:s23], $0x1A00  }
0xa7: {  	[sflag:s23] =	ssyncset.done $0x0  }
0xa8: {  	[sflag:s23] =	ssyncadd.s32 $0xFFFFE600  }
0xa9: {  	_ =	swait.ge [sflag:s23], $0x1800  }
0xaa: {  	[sflag:s23] =	ssyncset.done $0x0  }
0xab: {  	[sflag:s23] =	ssyncadd.s32 $0xFFFFE800  }
0xac: {  	_ =	swait.ge [sflag:s23], $0x1A00  }
0xad: {  	[sflag:s23] =	ssyncset.done $0x0  }
0xae: {  	[sflag:s23] =	ssyncadd.s32 $0xFFFFE600  }
0xaf: {  	_ =	swait.ge [sflag:s23], $0x1800  }
0xb0: {  	[sflag:s23] =	ssyncset.done $0x0  }
0xb1: {  	[sflag:s23] =	ssyncadd.s32 $0xFFFFE800  }
0xb2: {  	v0 =	vld [tilespmem:s1+$0xFFFFFF80];
	_ =	sdelay $0x4  }
0xb3: {  	[tilespmem:$0x320] =	vst v0  }
0xb4: {  	v0 =	vld [tilespmem:s1+$0xFFFFFF90];
	_ =	sdelay $0x4  }
0xb5: {  	[tilespmem:$0x330] =	vst v0  }
0xb6: {  	v0 =	vld [tilespmem:s1+$0xFFFFFFA0];
	_ =	sdelay $0x4  }
0xb7: {  	[tilespmem:$0x340] =	vst v0  }
0xb8: {  	v0 =	vld [tilespmem:s1+$0xFFFFFFB0];
	_ =	sdelay $0x3  }
0xb9: {  	s12 =	smov.u32 s0;
	s17 =	rddreg [dreg:$0x4]  }
0xba: {  	s18 =	rddreg [dreg:$0xe];
	s15 =	sadd.s32 s12, s17;
	[tilespmem:$0x350] =	vst v0  }
0xbb: {  	[hbm4b:s15+s2] =	stream.linear.scatter [tilespmem:s18], [sflag:$0x4], $0x3240, $0x38;
	[tilespmem:$0xECA0] =	vst v63  }
0xbc: {  	v0 =	vld [tilespmem:s1+$0xFFFFFFC0];
	_ =	sdelay $0x4  }
0xbd: {  	[tilespmem:$0x3560] =	vst v0  }
0xbe: {  	v0 =	vld [tilespmem:s1+$0xFFFFFFD0];
	_ =	sdelay $0x4  }
0xbf: {  	[tilespmem:$0x3570] =	vst v0  }
0xc0: {  	v0 =	vld [tilespmem:s1+$0xFFFFFFE0];
	_ =	sdelay $0x4  }
0xc1: {  	[tilespmem:$0x3580] =	vst v0  }
0xc2: {  	v0 =	vld [tilespmem:s1+$0xFFFFFFF0];
	_ =	sdelay $0x3  }
0xc3: {  	p1 =	seq.s32 s12, $0x30AE0;
	s19 =	rddreg [dreg:$0x5]  }
0xc4: {  	s17 =	sadd.s32 s12, s19;
	s18 =	simm.s32 @!p1 $0x4;
	[tilespmem:$0x3590] =	vst v0  }
0xc5: {  	[hbm4b:s17+s2] =	stream.linear.scatter [tilespmem:s24], [sflag:$0x4], $0x3240, $0x38;
	[tilespmem:$0xECA0] =	vst v63  }
0xc6: {  	_ =	swait.ge @!p1 [sflag:s18], $0x3240  }
0xc7: {  	[sflag:s18] =	ssyncset.done @!p1 $0x0  }
0xc8: {  	[sflag:s18] =	ssyncadd.s32 @!p1 $0xFFFFCDC0  }
0xc9: {  	_ =	swait.ge @!p1 [sflag:s18], $0x3240  }
0xca: {  	[sflag:s18] =	ssyncset.done @!p1 $0x0  }
0xcb: {  	s17 =	simm.s32 @!p1 $0x0;
	[sflag:s18] =	ssyncadd.s32 @!p1 $0xFFFFCDC0;
	s18 =	simm.s32 @!p1 $0x6  }
0xcc: {  	[tilespmem:s17], [sflag:$0x6] =	stream.linear.gather @!p1 [hbm4b:s8+s17], $0x190, $0x38;
	[tilespmem:$0xECA0] =	vst v63  }
0xcd: {  	_ =	swait.ge @!p1 [sflag:s18], $0x190  }
0xce: {  	[sflag:s18] =	ssyncset.done @!p1 $0x0  }
0xcf: {  	s20 =	simm.s32 @!p1 $0x360;
	s19 =	simm.s32 @!p1 $0x68;
	[sflag:s18] =	ssyncadd.s32 @!p1 $0xFFFFFE70  }
0xd0: {  	[tilespmem:s20], [sflag:$0x2] =	stream.indirect.gather @!p1 [hbm4b:s3+s19], $0x40, s17, s19, $0xb8;
	[tilespmem:$0xECA0] =	vst v63  }
0xd1: {  	s21 =	simm.s32 @!p1 $0x1D60;
	s18 =	simm.s32 @!p1 $0x60  }
0xd2: {  	[tilespmem:s21], [sflag:$0x2] =	stream.indirect.gather @!p1 [hbm4b:s3+s18], $0x40, s19, s18, $0xb8;
	[tilespmem:$0xECA0] =	vst v63  }
0xd3: {  	s17 =	simm.s32 @!p1 $0xC8;
	s20 =	simm.s32 @!p1 $0x35A0  }
0xd4: {  	[tilespmem:s20], [sflag:$0x2] =	stream.indirect.gather @!p1 [hbm4b:s3+s19], $0x40, s17, s19, $0xb8;
	[tilespmem:$0xECA0] =	vst v63  }
0xd5: {  	s4 =	simm.s32 @!p1 $0x4FA0;
	s21 =	simm.s32 @!p1 $0x130  }
0xd6: {  	[tilespmem:s4], [sflag:$0x2] =	stream.indirect.gather @!p1 [hbm4b:s3+s18], $0x40, s21, s18, $0xb8;
	[tilespmem:$0xECA0] =	vst v63  }
0xd7: {  	_ =	swait.ge [sflag:s25], $0x1A00  }
0xd8: {  	[sflag:s25] =	ssyncset.done $0x0  }
0xd9: {  	[sflag:s25] =	ssyncadd.s32 $0xFFFFE600  }
0xda: {  	_ =	swait.ge [sflag:s25], $0x1800  }
0xdb: {  	[sflag:s25] =	ssyncset.done $0x0  }
0xdc: {  	[sflag:s25] =	ssyncadd.s32 $0xFFFFE800  }
0xdd: {  	_ =	swait.ge [sflag:s25], $0x1A00  }
0xde: {  	[sflag:s25] =	ssyncset.done $0x0  }
0xdf: {  	[sflag:s25] =	ssyncadd.s32 $0xFFFFE600  }
0xe0: {  	_ =	swait.ge [sflag:s25], $0x1800  }
0xe1: {  	[sflag:s25] =	ssyncset.done $0x0  }
0xe2: {  	[sflag:s25] =	ssyncadd.s32 $0xFFFFE800  }
0xe3: {  	v0 =	vld [tilespmem:s1+$0x0];
	_ =	sdelay $0x4  }
0xe4: {  	[tilespmem:$0x67A0] =	vst v0  }
0xe5: {  	v0 =	vld [tilespmem:s1+$0x10];
	_ =	sdelay $0x4  }
0xe6: {  	[tilespmem:$0x67B0] =	vst v0  }
0xe7: {  	v0 =	vld [tilespmem:s1+$0x20];
	_ =	sdelay $0x4  }
0xe8: {  	[tilespmem:$0x67C0] =	vst v0  }
0xe9: {  	v0 =	vld [tilespmem:s1+$0x30];
	_ =	sdelay $0x4  }
0xea: {  	s21 =	sadd.s32 $0xC90, s15;
	[tilespmem:$0x67D0] =	vst v0  }
0xeb: {  	[hbm4b:s21+s2] =	stream.linear.scatter [tilespmem:s26], [sflag:$0x5], $0x3240, $0x38;
	[tilespmem:$0xECA0] =	vst v63  }
0xec: {  	v0 =	vld [tilespmem:s1+$0x40];
	_ =	sdelay $0x4  }
0xed: {  	[tilespmem:$0x99E0] =	vst v0  }
0xee: {  	v0 =	vld [tilespmem:s1+$0x50];
	_ =	sdelay $0x4  }
0xef: {  	[tilespmem:$0x99F0] =	vst v0  }
0xf0: {  	s0 =	sadd.s32 $0x1920, s0;
	v0 =	vld [tilespmem:s1+$0x60]  }
0xf1: {  	p0 =	sne.s32 s0, $0x32400  }
.Ltmp0:
0xf2: {  	_ = 	snop;
	(pc) =	sbr.rel @p0 .LBB2_2-.Ltmp0, $3  }
0xf3: {  	_ =	sdelay $0x1  }
0xf4: {  	s20 =	rddreg [dreg:$0x6];
	[tilespmem:$0x9A00] =	vst v0  }
0xf5: {  	s17 =	sadd.s32 s12, s20;
	v0 =	vld [tilespmem:s1+$0x70];
	s1 =	sadd.s32 $0x100, s1  }
0xf6: {  	_ =	sdelay $0x3  }
0xf7: {  	[tilespmem:$0x9A10] =	vst v0  }
0xf8: {  	[hbm4b:s17+s2] =	stream.linear.scatter [tilespmem:s28], [sflag:$0x5], $0x3240, $0x38;
	[tilespmem:$0xECA0] =	vst v63  }
0xf9: {  	_ =	swait.ge [sflag:s29], $0x3240  }
0xfa: {  	[sflag:s29] =	ssyncset.done $0x0  }
0xfb: {  	[sflag:s29] =	ssyncadd.s32 $0xFFFFCDC0  }
0xfc: {  	_ =	swait.ge [sflag:s29], $0x3240  }
0xfd: {  	[sflag:s29] =	ssyncset.done $0x0  }
0xfe: {  	s31 =	sadd.s32 $0x1, s31;
	[sflag:s29] =	ssyncadd.s32 $0xFFFFCDC0  }
0xff: {  	p0 =	sne.s32 s31, s7;
	_ =	swait.ge [sflag:s30], $0x3240  }
.Ltmp1:
0x100: {  	[sflag:s30] =	ssyncset.done $0x0;
	(pc) =	sbr.rel @p0 .LBB2_1-.Ltmp1, $4  }
0x101: {  	[sflag:s30] =	ssyncadd.s32 $0xFFFFCDC0  }
0x102: {  	_ =	swait.ge [sflag:s30], $0x3240  }
0x103: {  	[sflag:s30] =	ssyncset.done $0x0  }
0x104: {  	[sflag:s30] =	ssyncadd.s32 $0xFFFFCDC0  }
0x105: {  	_ =	sfence.sel $0x180000  }
0x106: {  	[bflag:$0x0] =	sbarrier.arrive $0xFFFF  }
0x107: {  	_ =	strace $0x90000047  }
0x108: {  	s0 =	stileid.u32;
	[bflag:$0x2] =	sbarrier.arrive $0xFFFF  }
0x109: {  	p0 =	sne.s32 s0, $0x0;
	s0 =	rddreg [dreg:$0x3]  }
0x10a: {  	s0 =	sadd.s32 @!p0 $0x100000, s0  }
0x10b: {  	[sflag:s0] =	ssyncadd.tile.s32 @!p0 $0x1;
	_ =	shalt  }
.Lfunc_end2:
_tile_overlayer_lowered:
.L_overlay_start_2:
0x10c: {  	(tag) =	ssettag $0x2  }
0x10d: {  	s0 =	rddreg [dreg:$0x0];
	s2 =	stileid.u32  }
0x10e: {  	s1 =	rddreg [dreg:$0x1];
	p0 =	sne.s32 s2, $0x0  }
0x10f: {  	s3 =	rddreg [dreg:$0x2];
	[bflag:$0x3] =	sbarrier.arrive $0xFFFF;
	s2 =	simm.s32 @!p0 $0x1C06  }
0x110: {  	[timem:s3], [sflag:s2] =	dma.local @!p0 [hbm:s0], s1  }
0x111: {  	s0 =	simm.s32 @!p0 $0x6  }
0x112: {  	_ =	swait.ge @!p0 [sflag:s0], s1  }
0x113: {  	s1 =	ssub.s32 @!p0 $0x0, s1;
	[sflag:s0] =	ssyncset.done @!p0 $0x0  }
0x114: {  	[sflag:s0] =	ssyncadd.s32 @!p0 s1  }
0x115: {  	[bflag:$0x3] =	sbarrier.arrive $0xFFFF  }
0x116: {  	_ =	shalt  }

// kernel: sparse-core-data-format-call.cloned.1.call-start
scs
called_computation_lowered:
.L_overlay_start_0:
0x0: {  	s2 =	sld [smem:$0x3FD9]  }
0x1: {  	s3 =	sld [smem:$0x3FFE];
	_ =	sdelay $0x1  }
0x2: {  	s1 =	srdreg.scid  }
0x3: {  	s0 =	sand.u32 $0x1, s1  }
0x4: {  	s18 =	sshll.u32 s0, $0xA;
	s2 =	sadd.s32 s3, s2  }
0x5: {  	s2 =	sadd.s32 s2, s18  }
0x6: {  	[smem:$0x3FC4] =	sst s2  }
0x7: {  	_ = 	snop  }
0x8: {  	s2 =	sld [smem:$0x3FD0];
	(tm) =	ssettm $0x1  }
0x9: {  	s19 =	sld [smem:$0x3FFB];
	_ =	sdelay $0x3  }
0xa: {  	_ =	strace s19  }
0xb: {  	s3 =	sld [smem:$0x3FFC];
	_ =	sdelay $0x3  }
0xc: {  	_ =	strace s3  }
0xd: {  	s3 =	sld [smem:$0x3FFD];
	_ =	sdelay $0x3  }
0xe: {  	_ =	strace s3  }
0xf: {  	_ =	strace $0x8FFFFFFF  }
0x10: {  	s20 =	sld [smem:$0x3FDB];
	_ =	sdelay $0x1  }
0x11: {  	s4 =	simm.s32 $_scs_section_size  }
0x12: {  	s5 =	simm.s32 $_size__tile_overlayer_lowered;
	s6 =	simm.s32 $_tile_overlayer_lowered  }
0x13: {  	s23 =	simm.s32 $0x1BFF;
	s22 =	sshll.u32 s6, $0x1;
	s3 =	sadd.s32 s4, s20  }
0x14: {  	s7 =	simm.s32 $0x0;
	s21 =	sshll.u32 s5, $0x1;
	s5 =	sadd.s32 s22, s3  }
0x15: {  	[timem:s7], [sflag:s23] =	dma.local [hbm:s5], s21  }
0x16: {  	_ =	swait.ge [sflag:s23], s21  }
0x17: {  	s4 =	ssub.s32 $0x0, s21;
	[sflag:s23] =	ssyncset.done $0x0  }
0x18: {  	[sflag:s23] =	ssyncadd.s32 s4;
	_ =	sdelay $0x1  }
0x19: {  	s24 =	simm.s32 $0x1B8B  }
0x1a: {  	_ =	swait.ge [sflag:s24], $0x1  }
0x1b: {  	[sflag:s24] =	ssyncset.done $0x0  }
0x1c: {  	s26 =	simm.s32 $0x1B8E;
	s25 =	sld [smem:$0x3FFE];
	[sflag:s24] =	ssyncadd.s32 $0xFFFFFFFF  }
0x1d: {  	s27 =	simm.s32 $execute0_lowered;
	[smem:$0x3FD2] =	sst s26  }
0x1e: {  	s5 =	sshll.u32 s27, $0x1;
	_ =	strace $0x80000049;
	[dreg:$0x1] =	wrdreg $0xFFFFFFFF  }
0x1f: {  	s28 =	simm.s32 $_size_execute0_lowered;
	s3 =	sadd.s32 s3, s5;
	[dreg:$0x0] =	wrdreg $0x0  }
0x20: {  	s5 =	sshll.u32 s28, $0x1;
	[dreg:$0x2] =	wrdreg s3  }
0x21: {  	[dreg:$0x3] =	wrdreg s5  }
0x22: {  	[dreg:$0x4] =	wrdreg $0xC0  }
0x23: {  	_ =	task [dreg:s7], $0x5FFFF  }
0x24: {  	[dreg:$0x1] =	wrdreg $0xFFFFFFFF  }
0x25: {  	[dreg:$0x0] =	wrdreg $0x60  }
0x26: {  	[dreg:$0x2] =	wrdreg s25  }
0x27: {  	[dreg:$0x3] =	wrdreg s2  }
0x28: {  	[dreg:$0x4] =	wrdreg $0x9  }
0x29: {  	_ =	task.clear_ibuf [dreg:s7], $0x5FFFF;
	_ =	strace $0x90000049  }
0x2a: {  	s29 =	simm.s32 $0x9;
	_ =	strace $0x8000004B  }
0x2b: {  	_ =	swait.ge [sflag:s29], $0x1  }
0x2c: {  	[sflag:s29] =	ssyncadd.s32 $0xFFFFFFFF  }
0x2d: {  	_ =	strace $0x9000004B  }
0x2e: {  	_ =	sfence  }
0x2f: {  	s30 =	sld [smem:$0x0];
	_ =	sdelay $0x2  }
0x30: {  	s31 =	sshll.u32 s1, $0xD;
	s1 =	sshrl.u32 s1, $0x2  }
0x31: {  	s3 =	sand.u32 $0x4000, s31;
	s1 =	sadd.s32 s1, s30  }
0x32: {  	s0 =	sor.u32 s3, s0;
	s1 =	sshll.u32 s1, $0x11  }
0x33: {  	s0 =	sor.u32 s1, s0  }
0x34: {  	s0 =	sadd.s32 $0x8F2B, s0  }
0x35: {  	[sflag:s0] =	ssyncadd.remote.s32 $0x1  }
0x36: {  	_ =	sfence.sel $0xFFFF  }
0x37: {  	[dreg:$0x0] =	wrdreg $0xFFFFFFFF;
	(pc) =	sbr.abs _section_cstart, $3  }
0x38: {  	[dreg:$0x1] =	wrdreg $0xFFFFFFFF  }
0x39: {  	_ =	task.clear_ibuf [dreg:s7], $0x2FFFF;
	_ =	strace $0x9FFFFFFF  }
0x3a: {  	(tm) =	ssettm $0x7FFFFFFF  }
0x3b: {  	_ =	shalt  }
tec
execute0_lowered:
.L_overlay_start_1:
0x0: {  	(tag) =	ssettag $0x1  }
0x1: {  	s0 =	srdreg.scid  }
0x2: {  	s1 =	sshll.u32 s0, $0x4  }
0x3: {  	s0 =	stileid.u32;
	s1 =	sand.u32 $0x10, s1  }
0x4: {  	s1 =	sor.u32 s0, s1  }
0x5: {  	s6 =	rddreg [dreg:$0x0];
	s4 =	simm.s32 $0x1;
	s2 =	sshll.u32 s1, $0x7  }
0x6: {  	s7 =	simm.s32 $0x2;
	s12 =	simm.s32 $0x0;
	s1 =	ssub.s32 $0x1000, s2  }
0x7: {  	s8 =	simm.s32 $0x8000;
	s13 =	simm.s32 $0x0;
	s3 =	sand.u32 $0xF80, s1  }
0x8: {  	s9 =	simm.s32 $0x0;
	s5 =	sshrl.u32 s1, $0xC;
	p0 =	sne.s32 s3, $0x0  }
.Ltmp0:
0x9: {  	s1 =	rddreg [dreg:$0x2];
	s4 =	simm.s32 @!p0 $0x0;
	(pc) =	sbr.rel .LBB1_1-.Ltmp0, $4  }
0xa: {  	s11 =	simm.s32 $0x0;
	s3 =	rddreg [dreg:$0x1];
	s5 =	sadd.s32 s4, s5  }
0xb: {  	_ =	strace $0x8000004A;
	s4 =	simm.s32 $0x1;
	s5 =	smul.u32 $0xC9, s5  }
0xc: {  	s6 =	sadd.s32 $0xC00, s6;
	s10 =	smov.u32 s2;
	[sflag:s4] =	ssyncpa.u1 $0x0  }
0xd: {  	p0 =	por $0x0, $0x0;
	[sflag:s7] =	ssyncpa.u1 $0x0;
	s7 =	sadd.s32 $0x1, s5  }
.LBB1_4:
0xe: {  	s16 =	sshll.u32 s13, $0x3;
	s17 =	sand.u32 $0x78, s13  }
0xf: {  	s30 =	sand.u32 $0x7E00, s13;
	s12 =	sshll.u32 s12, $0xF;
	s16 =	sand.u32 $0xC00, s16  }
0x10: {  	[tilespmem:s15+$0x810 ss:$0x81] =	vst.msk $0xffff, v2;
	s31 =	sand.u32 $0x7, s13;
	s16 =	sor.u32 s17, s16;
	s17 =	sadd.s32 s3, s30  }
0x11: {  	[tilespmem:s15+$0x1020 ss:$0x81] =	vst.msk $0xffff, v0;
	s13 =	sshll.u32 s31, $0x12;
	s12 =	sadd.s32 s12, s17;
	s16 =	sshrl.u32 s16, $0x3  }
0x12: {  	[tilespmem:s15+$0x0 ss:$0x81] =	vst.msk $0xffff, v1;
	s13 =	sor.u32 $0x400, s13;
	s12 =	sadd.s32 s16, s12  }
0x13: {  	[hbm4b:s12+s13] =	stream.strided.scatter [tilespmem:s14], [sflag:$0x2], $0x2000, s8, s13, $0x20;
	[tilespmem:$0x8080] =	vst v63  }
.LBB1_5:
0x14: {  	s14 =	sadd.s32 $0x1, s9  }
0x15: {  	s12 =	sadd.s32 $0x1000, s10;
	s16 =	smov.u32 s10;
	p2 =	sgt.s32 s14, $0xC8  }
0x16: {  	s16 =	smov.u32 @p2 s12  }
0x17: {  	s14 =	simm.s32 @p2 $0x0;
	p2 =	sgt.s32 s16, $0xFFF  }
0x18: {  	s16 =	smov.u32 @p2 s2;
	p2 =	sne.s32 s11, s7  }
.Ltmp1:
0x19: {  	p1 =	slt.u32 s11, $0x2;
	(pc) =	sbr.rel @!p2 .LBB1_6-.Ltmp1, $4  }
0x1a: {  	s15 =	simm.s32 @!p1 $0x2  }
0x1b: {  	s13 =	smov.u32 s10;
	p0 =	por !p0, !p0;
	_ =	swait.ge @!p1 [sflag:s15], $0x2000  }
0x1c: {  	s12 =	smov.u32 s9;
	[sflag:s15] =	ssyncset.done @!p1 $0x0;
	s9 =	smov.u32 s14  }
0x1d: {  	s11 =	sadd.s32 $0x1, s11;
	[sflag:s15] =	ssyncadd.s32 @!p1 $0xFFFFE000;
	s10 =	smov.u32 s16  }
.LBB1_1:
0x1e: {  	p1 =	sge.u32 s11, s5  }
0x1f: {  	s14 =	sand.u32 @!p1 $0x1FFFFFF, s9  }
0x20: {  	s15 =	smulhi.u32 @!p1 $0x2762763, s14;
	_ =	sdelay $0x1  }
0x21: {  	s15 =	sshrl.u32 @!p1 s15, $0x1  }
0x22: {  	s15 =	smul.u32 @!p1 $0xD0, s15  }
0x23: {  	s16 =	sxor.u32 @!p1 $0xFFFFFFFF, s11;
	s17 =	smul.u32 @!p1 $0xD00, s10  }
0x24: {  	s31 =	sadd.s32 $0xFFFFFFFF, s11;
	s16 =	sshll.u32 @!p1 s16, $0xD;
	s14 =	ssub.s32 @!p1 s14, s15  }
0x25: {  	s15 =	sand.u32 @!p1 $0x2000, s16;
	s16 =	sadd.s32 @!p1 s6, s17;
	s14 =	sshll.u32 @!p1 s14, $0x4  }
0x26: {  	s17 =	simm.s32 @!p1 $0x6800;
	s14 =	sadd.s32 @!p1 s14, s16;
	s16 =	simm.s32 @!p1 $0x40  }
0x27: {  	[tilespmem:s15], [sflag:$0x1] =	stream.strided.gather @!p1 [hbm4b:s14+s16], $0x2000, s17, s16, $0x38;
	[tilespmem:$0x8080] =	vst v63  }
0x28: {  	p1 =	sge.u32 s31, s5  }
.Ltmp2:
0x29: {  	_ = 	snop;
	(pc) =	sbr.rel @p1 .LBB1_5-.Ltmp2, $1  }
0x2a: {  	_ =	sdelay $0x3  }
0x2b: {  	s14 =	simm.s32 $0x1  }
0x2c: {  	_ =	swait.ge [sflag:s4], $0x2000;
	s14 =	simm.s32 @!p0 $0x0  }
0x2d: {  	[sflag:s4] =	ssyncset.done $0x0;
	s15 =	sshll.u32 s14, $0xD  }
0x2e: {  	[sflag:s4] =	ssyncadd.s32 $0xFFFFE000;
	s18 =	sor.u32 $0x20, s15  }
0x2f: {  	s14 =	smul.u32 $0x8100, s14;
	v3 =	vld [tilespmem:s18+$0x10]  }
0x30: {  	s30 =	sand.u32 $0x1, s11;
	v2 =	vld [tilespmem:s18+$0xFFFFFFF0]  }
0x31: {  	s15 =	smul.u32 $0x8100, s30;
	s14 =	sshrl.u32 s14, $0x2;
	v0 =	vld [tilespmem:s18+$0x0]  }
0x32: {  	v1 =	vld [tilespmem:s18+$0xFFFFFFE0];
	s16 =	sor.u32 $0x4000, s14  }
0x33: {  	s31 =	sshrl.u32 s15, $0x2;
	s15 =	sadd.s32 $0x0, s16  }
0x34: {  	s17 =	simm.s32 $0x4;
	s18 =	sadd.s32 $0x40, s18;
	s14 =	sor.u32 $0x4000, s31;
	[tilespmem:s15+$0x1830 ss:$0x81] =	vst.msk $0xffff, v3  }
.LBB1_3:
0x35: {  	v3 =	vld [tilespmem:s18+$0x10];
	p1 =	sne.s32 s17, $0x1FC;
	[tilespmem:s15+$0x810 ss:$0x81] =	vst.msk $0xffff, v2;
	s19 =	smov.u32 s17;
	s17 =	sadd.s32 $0x4, s17  }
.Ltmp3:
0x36: {  	v2 =	vld [tilespmem:s18+$0xFFFFFFF0];
	[tilespmem:s15+$0x1020 ss:$0x81] =	vst.msk $0xffff, v0;
	(pc) =	sbr.rel @p1 .LBB1_3-.Ltmp3, $4  }
0x37: {  	v0 =	vld [tilespmem:s18+$0x0];
	[tilespmem:s15+$0x0 ss:$0x81] =	vst.msk $0xffff, v1  }
0x38: {  	s15 =	sshra.s32 s19, $0x2;
	v1 =	vld [tilespmem:s18+$0xFFFFFFE0]  }
0x39: {  	s15 =	sadd.s32 s15, s16  }
0x3a: {  	s18 =	sadd.s32 $0x40, s18;
	[tilespmem:s15+$0x1830 ss:$0x81] =	vst.msk $0xffff, v3  }
.Ltmp4:
0x3b: {  	_ = 	snop;
	(pc) =	sbr.rel .LBB1_4-.Ltmp4, $1  }
0x3c: {  	_ =	sdelay $0x3  }
.LBB1_6:
0x3d: {  	_ =	sfence.sel $0x180000  }
0x3e: {  	s2 =	simm.s32 $0x1;
	[bflag:$0x0] =	sbarrier.arrive $0xFFFF  }
0x3f: {  	s31 =	simm.s32 $0x2;
	[sflag:s2] =	ssyncpa.u1 $0x1  }
0x40: {  	[sflag:s31] =	ssyncpa.u1 $0x1  }
0x41: {  	p0 =	sne.s32 s0, $0x0;
	_ =	strace $0x9000004A  }
0x42: {  	s0 =	sadd.s32 @!p0 $0x100000, s1;
	[bflag:$0x2] =	sbarrier.arrive $0xFFFF  }
0x43: {  	[sflag:s0] =	ssyncadd.tile.s32 @!p0 $0x1;
	_ =	shalt  }
.Lfunc_end1:
_tile_overlayer_lowered:
.L_overlay_start_2:
0x44: {  	(tag) =	ssettag $0x2  }
0x45: {  	s0 =	rddreg [dreg:$0x0];
	s2 =	stileid.u32  }
0x46: {  	s1 =	rddreg [dreg:$0x1];
	p0 =	sne.s32 s2, $0x0  }
0x47: {  	s3 =	rddreg [dreg:$0x2];
	[bflag:$0x3] =	sbarrier.arrive $0xFFFF;
	s2 =	simm.s32 @!p0 $0x1C01  }
0x48: {  	[timem:s3], [sflag:s2] =	dma.local @!p0 [hbm:s0], s1  }
0x49: {  	s0 =	simm.s32 @!p0 $0x1  }
0x4a: {  	_ =	swait.ge @!p0 [sflag:s0], s1  }
0x4b: {  	s1 =	ssub.s32 @!p0 $0x0, s1;
	[sflag:s0] =	ssyncset.done @!p0 $0x0  }
0x4c: {  	[sflag:s0] =	ssyncadd.s32 @!p0 s1  }
0x4d: {  	[bflag:$0x3] =	sbarrier.arrive $0xFFFF  }
0x4e: {  	_ =	shalt  }

</sc_bundles>
